<compile_context>
chip_gen: v7x
topology: tpu7x:2x2x1
jax: 0.10.2.dev20260603
libtpu: 0.0.44.dev20260713+nightly
codegen_flags: <defaults>
</compile_context>

<pallas_src>
import functools

import jax
import jax.numpy as jnp
from jax import lax
from jax.experimental import pallas as pl
from jax.experimental.pallas import tpu as pltpu
from jax.experimental.pallas import tpu_sc as plsc

B_SIZE = 16384
V_SIZE = 1000000
D = 32
WIDE = 128
PACK = WIDE // D

NC = 2
NS = 16
NW = NC * NS
BPW = B_SIZE // NW
CH = 128
NCH = BPW // CH

_sc_mesh = plsc.VectorSubcoreMesh(core_axis_name="c", subcore_axis_name="s")


@functools.partial(
    pl.kernel,
    out_type=[
        jax.ShapeDtypeStruct((B_SIZE, WIDE), jnp.float32),
        jax.ShapeDtypeStruct((B_SIZE, WIDE), jnp.float32),
        jax.ShapeDtypeStruct((B_SIZE,), jnp.float32),
        jax.ShapeDtypeStruct((B_SIZE,), jnp.float32),
    ],
    mesh=_sc_mesh,
    scratch_types=[
        pltpu.VMEM((NCH, CH), jnp.int32),
        pltpu.VMEM((NCH, CH), jnp.int32),
        pltpu.VMEM((NCH, CH), jnp.int32),
        pltpu.VMEM((NCH, CH), jnp.int32),
        pltpu.VMEM((BPW // 2, WIDE), jnp.float32),
        pltpu.VMEM((BPW // 2, WIDE), jnp.float32),
        pltpu.VMEM((BPW,), jnp.float32),
        pltpu.VMEM((BPW,), jnp.float32),
        pltpu.SemaphoreType.DMA,
        pltpu.SemaphoreType.DMA,
    ],
)
def _sc_gather(uid_hbm, iid_hbm, uw_tab, qw_tab, a_tab, b_tab,
               u_out, q_out, a_out, b_out,
               uidx, iidx, uwidx, iwidx, urows, qrows, avals, bvals,
               sem_in, sem_out):
    wid = lax.axis_index("s") * NC + lax.axis_index("c")
    base = wid * BPW

    pltpu.sync_copy(uid_hbm.at[wid], uidx)
    pltpu.sync_copy(iid_hbm.at[wid], iidx)

    for j in range(NCH):
        for k in range(CH // 16):
            s = pl.ds(k * 16, 16)
            uwidx[j, s] = lax.shift_right_logical(uidx[j, s], 2)
            iwidx[j, s] = lax.shift_right_logical(iidx[j, s], 2)

    bias_handles = []
    for j in range(NCH):
        rows = pl.ds(j * CH, CH)
        bias_handles.append(pltpu.async_copy(a_tab.at[uidx.at[j]], avals.at[rows], sem_in))
        bias_handles.append(pltpu.async_copy(b_tab.at[iidx.at[j]], bvals.at[rows], sem_in))

    for half in range(2):
        handles = []
        for jj in range(NCH // 2):
            j = half * (NCH // 2) + jj
            rows = pl.ds(jj * CH, CH)
            handles.append(pltpu.async_copy(uw_tab.at[uwidx.at[j]], urows.at[rows], sem_in))
            handles.append(pltpu.async_copy(qw_tab.at[iwidx.at[j]], qrows.at[rows], sem_in))
        for h in handles:
            h.wait()
        out = pl.ds(base + half * (BPW // 2), BPW // 2)
        pltpu.async_copy(urows, u_out.at[out], sem_out).wait()
        pltpu.async_copy(qrows, q_out.at[out], sem_out).wait()

    for h in bias_handles:
        h.wait()
    out = pl.ds(base, BPW)
    pltpu.async_copy(avals, a_out.at[out], sem_out).wait()
    pltpu.async_copy(bvals, b_out.at[out], sem_out).wait()


BLK = 2048


def _tc_body(uw_ref, qw_ref, a_ref, b_ref, uid_ref, iid_ref,
             w1t_ref, b1_ref, w2t_ref, b2_ref, pred_ref, score_ref):
    uw = uw_ref[...]
    qw = qw_ref[...]
    usel = uid_ref[...] & (PACK - 1)
    isel = iid_ref[...] & (PACK - 1)
    u = jnp.zeros((BLK, D), jnp.float32)
    q = jnp.zeros((BLK, D), jnp.float32)
    for k in range(PACK):
        u = u + jnp.where(usel == k, uw[:, k * D:(k + 1) * D], 0.0)
        q = q + jnp.where(isel == k, qw[:, k * D:(k + 1) * D], 0.0)
    uq = u * q
    pred_ref[...] = (jnp.sum(uq, axis=1, keepdims=True)
                     + a_ref[...] + b_ref[...])
    h = jnp.concatenate([u, q, uq], axis=1)
    h = jnp.dot(h, w1t_ref[...], preferred_element_type=jnp.float32)
    h = jnp.maximum(h + b1_ref[...], 0.0)
    s = jnp.dot(h, w2t_ref[...], preferred_element_type=jnp.float32)
    score_ref[...] = s + b2_ref[...]


_tc_mlp = pl.pallas_call(
    _tc_body,
    grid=(B_SIZE // BLK,),
    in_specs=[
        pl.BlockSpec((BLK, WIDE), lambda i: (i, 0)),
        pl.BlockSpec((BLK, WIDE), lambda i: (i, 0)),
        pl.BlockSpec((BLK, 1), lambda i: (i, 0)),
        pl.BlockSpec((BLK, 1), lambda i: (i, 0)),
        pl.BlockSpec((BLK, 1), lambda i: (i, 0)),
        pl.BlockSpec((BLK, 1), lambda i: (i, 0)),
        pl.BlockSpec((3 * D, 64), lambda i: (0, 0)),
        pl.BlockSpec((1, 64), lambda i: (0, 0)),
        pl.BlockSpec((64, 1), lambda i: (0, 0)),
        pl.BlockSpec((1, 1), lambda i: (0, 0)),
    ],
    out_specs=[
        pl.BlockSpec((BLK, 1), lambda i: (i, 0)),
        pl.BlockSpec((BLK, 1), lambda i: (i, 0)),
    ],
    out_shape=[
        jax.ShapeDtypeStruct((B_SIZE, 1), jnp.float32),
        jax.ShapeDtypeStruct((B_SIZE, 1), jnp.float32),
    ],
)


@jax.jit
def kernel(user_ids, item_ids, U_mf, Q_mf, A_mf, B_mf, W1, b1, W2, b2):
    uid = user_ids.astype(jnp.int32)
    iid = item_ids.astype(jnp.int32)
    uid3 = uid.reshape(NW, NCH, CH)
    iid3 = iid.reshape(NW, NCH, CH)
    uw_tab = U_mf.reshape(V_SIZE // PACK, WIDE)
    qw_tab = Q_mf.reshape(V_SIZE // PACK, WIDE)
    a_tab = A_mf.reshape(V_SIZE)
    b_tab = B_mf.reshape(V_SIZE)
    u, q, a, b = _sc_gather(uid3, iid3, uw_tab, qw_tab, a_tab, b_tab)
    pred2, score2 = _tc_mlp(u, q, a.reshape(B_SIZE, 1), b.reshape(B_SIZE, 1),
                            uid.reshape(B_SIZE, 1), iid.reshape(B_SIZE, 1),
                            W1.T, b1.reshape(1, 64), W2.T, b2.reshape(1, 1))
    return pred2[:, 0], score2[:, 0]

# --- scband reference (transcript-rebuilt; emitter-appended) ---
"""Pipeline reference for scband-multi-task-net-86603720556624 (READ-ONLY COPY).

The authoritative reference and input builder live on the scoring server;
editing this copy changes nothing except your own understanding.
"""

import jax, jax.numpy as jnp
import numpy as np

B = 16384
V = 1000000
D = 32

def setup_inputs(seed: int = 0) -> dict:
    key = jax.random.key(seed)
    ks = jax.random.split(key, 8)
    user_ids = jax.random.randint(ks[0], (B,), 0, V)
    item_ids = jax.random.randint(ks[1], (B,), 0, V)
    U_mf = jax.random.normal(ks[2], (V, D), dtype=jnp.float32) * (1.0 / D)
    Q_mf = jax.random.normal(ks[3], (V, D), dtype=jnp.float32) * (1.0 / D)
    A_mf = jnp.zeros((V, 1), dtype=jnp.float32)
    B_mf = jnp.zeros((V, 1), dtype=jnp.float32)
    W1 = jax.random.normal(ks[4], (64, 96), dtype=jnp.float32) * 0.05
    b1 = jnp.zeros((64,), dtype=jnp.float32)
    W2 = jax.random.normal(ks[5], (1, 64), dtype=jnp.float32) * 0.05
    b2 = jnp.zeros((1,), dtype=jnp.float32)
    return {"user_ids": user_ids, "item_ids": item_ids,
            "U_mf": U_mf, "Q_mf": Q_mf, "A_mf": A_mf, "B_mf": B_mf,
            "W1": W1, "b1": b1, "W2": W2, "b2": b2}

def reference(user_ids, item_ids, U_mf, Q_mf, A_mf, B_mf, W1, b1, W2, b2):
    # Shared embeddings: U_mlp == U_mf, Q_mlp == Q_mf (embedding_sharing=True)
    u_mf = jnp.take(U_mf, user_ids, axis=0)
    q_mf = jnp.take(Q_mf, item_ids, axis=0)
    a_mf = jnp.take(A_mf, user_ids, axis=0)[:, 0]
    b_mf = jnp.take(B_mf, item_ids, axis=0)[:, 0]
    predictions = jnp.sum(u_mf * q_mf, axis=-1) + a_mf + b_mf
    u_mlp = u_mf
    q_mlp = q_mf
    h = jnp.concatenate([u_mlp, q_mlp, u_mlp * q_mlp], axis=-1)
    h = jax.nn.relu(h @ W1.T + b1)
    score = (h @ W2.T + b2)[:, 0]
    return (predictions, score)

if __name__ == "__main__":
    import jax
    _d = setup_inputs()
    print(jax.jit(kernel)(*tuple(_d.values())))

</pallas_src>

<mosaic_0001>
#map = affine_map<(d0, d1) -> (0, 0, 0)>
#map1 = affine_map<(d0, d1) -> (0, 0)>
#map2 = affine_map<(d0, d1) -> (0)>
module attributes {stable_mosaic.version = 14 : i64} {
  func.func @_sc_gather(%arg0: i32, %arg1: i32, %arg2: memref<32x4x128xi32, #tpu.memory_space<hbm>>, %arg3: memref<32x4x128xi32, #tpu.memory_space<hbm>>, %arg4: memref<250000x128xf32, #tpu.memory_space<hbm>>, %arg5: memref<250000x128xf32, #tpu.memory_space<hbm>>, %arg6: memref<1000000xf32, #tpu.memory_space<hbm>>, %arg7: memref<1000000xf32, #tpu.memory_space<hbm>>, %arg8: memref<16384x128xf32, #tpu.memory_space<hbm>>, %arg9: memref<16384x128xf32, #tpu.memory_space<hbm>>, %arg10: memref<16384xf32, #tpu.memory_space<hbm>>, %arg11: memref<16384xf32, #tpu.memory_space<hbm>>, %arg12: memref<4x128xi32, #tpu.memory_space<vmem>>, %arg13: memref<4x128xi32, #tpu.memory_space<vmem>>, %arg14: memref<4x128xi32, #tpu.memory_space<vmem>>, %arg15: memref<4x128xi32, #tpu.memory_space<vmem>>, %arg16: memref<256x128xf32, #tpu.memory_space<vmem>>, %arg17: memref<256x128xf32, #tpu.memory_space<vmem>>, %arg18: memref<512xf32, #tpu.memory_space<vmem>>, %arg19: memref<512xf32, #tpu.memory_space<vmem>>, %arg20: memref<!tpu.dma_semaphore, #tpu.memory_space<semaphore_mem>>, %arg21: memref<!tpu.dma_semaphore, #tpu.memory_space<semaphore_mem>>) attributes {dimension_semantics = [#tpu.dimension_semantics<core_parallel>, #tpu.dimension_semantics<subcore_parallel>], iteration_bounds = array<i64: 2, 16>, scalar_prefetch = 0 : i64, scratch_operands = 10 : i64, tpu.core_type = #tpu.core_type<sc_vector_subcore>, window_params = [{transform_indices = #map}, {transform_indices = #map}, {transform_indices = #map1}, {transform_indices = #map1}, {transform_indices = #map2}, {transform_indices = #map2}, {transform_indices = #map1}, {transform_indices = #map1}, {transform_indices = #map2}, {transform_indices = #map2}]} {
    %mul3A = arith.constant 2 : i32
    %mul3A_0 = arith.muli %arg1, %mul3A : i32
    %add3A = arith.addi %mul3A_0, %arg0 : i32
    %mul3A_1 = arith.constant 512 : i32
    %mul3A_2 = arith.muli %add3A, %mul3A_1 : i32
    "tpu.region"() ({
      %run_scoped3A = tpu.sem_alloc : memref<!tpu.dma_semaphore, #tpu.memory_space<semaphore_mem>>
      %dma_start3A_1226 = arith.constant 0 : i32
      %dma_start3A_1227 = arith.constant 0 : i32
      %dma_start3A_1228 = tpu.memref_slice %arg2[%add3A, %dma_start3A_1226, %dma_start3A_1227] : memref<32x4x128xi32, #tpu.memory_space<hbm>> -> memref<1x4x128xi32, #tpu.memory_space<hbm>>
      %dma_start3A_1229 = tpu.memref_squeeze %dma_start3A_1228 : memref<1x4x128xi32, #tpu.memory_space<hbm>> -> memref<4x128xi32, #tpu.memory_space<hbm>>
      %dma_start3A_1230 = arith.constant 0 : i32
      %dma_start3A_1231 = arith.constant 0 : i32
      %dma_start3A_1232 = tpu.memref_slice %arg2[%add3A, %dma_start3A_1230, %dma_start3A_1231] : memref<32x4x128xi32, #tpu.memory_space<hbm>> -> memref<1x4x128xi32, #tpu.memory_space<hbm>>
      %dma_start3A_1233 = tpu.memref_squeeze %dma_start3A_1232 : memref<1x4x128xi32, #tpu.memory_space<hbm>> -> memref<4x128xi32, #tpu.memory_space<hbm>>
      tpu.enqueue_dma source(%dma_start3A_1233 : memref<4x128xi32, #tpu.memory_space<hbm>>) target(%arg12 : memref<4x128xi32, #tpu.memory_space<vmem>>) target_semaphore(%run_scoped3A : memref<!tpu.dma_semaphore, #tpu.memory_space<semaphore_mem>>)
      %dma_wait3A_1234 = arith.constant 0 : i32
      %dma_wait3A_1235 = arith.constant 0 : i32
      %dma_wait3A_1236 = tpu.memref_slice %arg2[%add3A, %dma_wait3A_1234, %dma_wait3A_1235] : memref<32x4x128xi32, #tpu.memory_space<hbm>> -> memref<1x4x128xi32, #tpu.memory_space<hbm>>
      %dma_wait3A_1237 = tpu.memref_squeeze %dma_wait3A_1236 : memref<1x4x128xi32, #tpu.memory_space<hbm>> -> memref<4x128xi32, #tpu.memory_space<hbm>>
      %dma_wait3A_1238 = arith.constant 0 : i32
      %dma_wait3A_1239 = arith.constant 0 : i32
      %dma_wait3A_1240 = tpu.memref_slice %arg2[%add3A, %dma_wait3A_1238, %dma_wait3A_1239] : memref<32x4x128xi32, #tpu.memory_space<hbm>> -> memref<1x4x128xi32, #tpu.memory_space<hbm>>
      %dma_wait3A_1241 = tpu.memref_squeeze %dma_wait3A_1240 : memref<1x4x128xi32, #tpu.memory_space<hbm>> -> memref<4x128xi32, #tpu.memory_space<hbm>>
      tpu.wait_dma2 semaphore(%run_scoped3A : memref<!tpu.dma_semaphore, #tpu.memory_space<semaphore_mem>>) src(%dma_wait3A_1241 : memref<4x128xi32, #tpu.memory_space<hbm>>) dst(%arg12 : memref<4x128xi32, #tpu.memory_space<vmem>>)
      tpu.yield
    }) : () -> ()
    "tpu.region"() ({
      %run_scoped3A = tpu.sem_alloc : memref<!tpu.dma_semaphore, #tpu.memory_space<semaphore_mem>>
      %dma_start3A_1226 = arith.constant 0 : i32
      %dma_start3A_1227 = arith.constant 0 : i32
      %dma_start3A_1228 = tpu.memref_slice %arg3[%add3A, %dma_start3A_1226, %dma_start3A_1227] : memref<32x4x128xi32, #tpu.memory_space<hbm>> -> memref<1x4x128xi32, #tpu.memory_space<hbm>>
      %dma_start3A_1229 = tpu.memref_squeeze %dma_start3A_1228 : memref<1x4x128xi32, #tpu.memory_space<hbm>> -> memref<4x128xi32, #tpu.memory_space<hbm>>
      %dma_start3A_1230 = arith.constant 0 : i32
      %dma_start3A_1231 = arith.constant 0 : i32
      %dma_start3A_1232 = tpu.memref_slice %arg3[%add3A, %dma_start3A_1230, %dma_start3A_1231] : memref<32x4x128xi32, #tpu.memory_space<hbm>> -> memref<1x4x128xi32, #tpu.memory_space<hbm>>
      %dma_start3A_1233 = tpu.memref_squeeze %dma_start3A_1232 : memref<1x4x128xi32, #tpu.memory_space<hbm>> -> memref<4x128xi32, #tpu.memory_space<hbm>>
      tpu.enqueue_dma source(%dma_start3A_1233 : memref<4x128xi32, #tpu.memory_space<hbm>>) target(%arg13 : memref<4x128xi32, #tpu.memory_space<vmem>>) target_semaphore(%run_scoped3A : memref<!tpu.dma_semaphore, #tpu.memory_space<semaphore_mem>>)
      %dma_wait3A_1234 = arith.constant 0 : i32
      %dma_wait3A_1235 = arith.constant 0 : i32
      %dma_wait3A_1236 = tpu.memref_slice %arg3[%add3A, %dma_wait3A_1234, %dma_wait3A_1235] : memref<32x4x128xi32, #tpu.memory_space<hbm>> -> memref<1x4x128xi32, #tpu.memory_space<hbm>>
      %dma_wait3A_1237 = tpu.memref_squeeze %dma_wait3A_1236 : memref<1x4x128xi32, #tpu.memory_space<hbm>> -> memref<4x128xi32, #tpu.memory_space<hbm>>
      %dma_wait3A_1238 = arith.constant 0 : i32
      %dma_wait3A_1239 = arith.constant 0 : i32
      %dma_wait3A_1240 = tpu.memref_slice %arg3[%add3A, %dma_wait3A_1238, %dma_wait3A_1239] : memref<32x4x128xi32, #tpu.memory_space<hbm>> -> memref<1x4x128xi32, #tpu.memory_space<hbm>>
      %dma_wait3A_1241 = tpu.memref_squeeze %dma_wait3A_1240 : memref<1x4x128xi32, #tpu.memory_space<hbm>> -> memref<4x128xi32, #tpu.memory_space<hbm>>
      tpu.wait_dma2 semaphore(%run_scoped3A : memref<!tpu.dma_semaphore, #tpu.memory_space<semaphore_mem>>) src(%dma_wait3A_1241 : memref<4x128xi32, #tpu.memory_space<hbm>>) dst(%arg13 : memref<4x128xi32, #tpu.memory_space<vmem>>)
      tpu.yield
    }) : () -> ()
    %get3A = arith.constant 0 : i32
    %get3A_3 = arith.index_cast %get3A : i32 to index
    %get3A_4 = arith.constant 0 : index
    %get3A_5 = tpu.vector_load %arg12[%get3A_3, %get3A_4] {strides = array<i32>} : memref<4x128xi32, #tpu.memory_space<vmem>>, vector<1x16xi32>,
    %get3A_6 = vector.shape_cast %get3A_5 : vector<1x16xi32> to vector<16xi32>
    %shift_right_logical3A = arith.constant 2 : i32
    %shift_right_logical3A_7 = vector.broadcast %shift_right_logical3A : i32 to vector<16xi32>
    %shift_right_logical3A_8 = arith.shrui %get3A_6, %shift_right_logical3A_7 : vector<16xi32>
    %swap3A = arith.constant 0 : i32
    %swap3A_9 = arith.index_cast %swap3A : i32 to index
    %swap3A_10 = arith.constant 0 : index
    %swap3A_11 = tpu.vector_load %arg14[%swap3A_9, %swap3A_10] {strides = array<i32>} : memref<4x128xi32, #tpu.memory_space<vmem>>, vector<1x16xi32>,
    %swap3A_12 = vector.shape_cast %swap3A_11 : vector<1x16xi32> to vector<16xi32>
    %swap3A_13 = vector.shape_cast %shift_right_logical3A_8 : vector<16xi32> to vector<1x16xi32>
    tpu.vector_store %arg14[%swap3A_9, %swap3A_10], %swap3A_13 {strides = array<i32>} : memref<4x128xi32, #tpu.memory_space<vmem>>, vector<1x16xi32>,
    %get3A_14 = arith.constant 0 : i32
    %get3A_15 = arith.index_cast %get3A_14 : i32 to index
    %get3A_16 = arith.constant 0 : index
    %get3A_17 = tpu.vector_load %arg13[%get3A_15, %get3A_16] {strides = array<i32>} : memref<4x128xi32, #tpu.memory_space<vmem>>, vector<1x16xi32>,
    %get3A_18 = vector.shape_cast %get3A_17 : vector<1x16xi32> to vector<16xi32>
    %shift_right_logical3A_19 = arith.constant 2 : i32
    %shift_right_logical3A_20 = vector.broadcast %shift_right_logical3A_19 : i32 to vector<16xi32>
    %shift_right_logical3A_21 = arith.shrui %get3A_18, %shift_right_logical3A_20 : vector<16xi32>
    %swap3A_22 = arith.constant 0 : i32
    %swap3A_23 = arith.index_cast %swap3A_22 : i32 to index
    %swap3A_24 = arith.constant 0 : index
    %swap3A_25 = tpu.vector_load %arg15[%swap3A_23, %swap3A_24] {strides = array<i32>} : memref<4x128xi32, #tpu.memory_space<vmem>>, vector<1x16xi32>,
    %swap3A_26 = vector.shape_cast %swap3A_25 : vector<1x16xi32> to vector<16xi32>
    %swap3A_27 = vector.shape_cast %shift_right_logical3A_21 : vector<16xi32> to vector<1x16xi32>
    tpu.vector_store %arg15[%swap3A_23, %swap3A_24], %swap3A_27 {strides = array<i32>} : memref<4x128xi32, #tpu.memory_space<vmem>>, vector<1x16xi32>,
    %get3A_28 = arith.constant 0 : i32
    %get3A_29 = arith.index_cast %get3A_28 : i32 to index
    %get3A_30 = arith.constant 16 : index
    %get3A_31 = tpu.vector_load %arg12[%get3A_29, %get3A_30] {strides = array<i32>} : memref<4x128xi32, #tpu.memory_space<vmem>>, vector<1x16xi32>,
    %get3A_32 = vector.shape_cast %get3A_31 : vector<1x16xi32> to vector<16xi32>
    %shift_right_logical3A_33 = arith.constant 2 : i32
    %shift_right_logical3A_34 = vector.broadcast %shift_right_logical3A_33 : i32 to vector<16xi32>
    %shift_right_logical3A_35 = arith.shrui %get3A_32, %shift_right_logical3A_34 : vector<16xi32>
    %swap3A_36 = arith.constant 0 : i32
    %swap3A_37 = arith.index_cast %swap3A_36 : i32 to index
    %swap3A_38 = arith.constant 16 : index
    %swap3A_39 = tpu.vector_load %arg14[%swap3A_37, %swap3A_38] {strides = array<i32>} : memref<4x128xi32, #tpu.memory_space<vmem>>, vector<1x16xi32>,
    %swap3A_40 = vector.shape_cast %swap3A_39 : vector<1x16xi32> to vector<16xi32>
    %swap3A_41 = vector.shape_cast %shift_right_logical3A_35 : vector<16xi32> to vector<1x16xi32>
    tpu.vector_store %arg14[%swap3A_37, %swap3A_38], %swap3A_41 {strides = array<i32>} : memref<4x128xi32, #tpu.memory_space<vmem>>, vector<1x16xi32>,
    %get3A_42 = arith.constant 0 : i32
    %get3A_43 = arith.index_cast %get3A_42 : i32 to index
    %get3A_44 = arith.constant 16 : index
    %get3A_45 = tpu.vector_load %arg13[%get3A_43, %get3A_44] {strides = array<i32>} : memref<4x128xi32, #tpu.memory_space<vmem>>, vector<1x16xi32>,
    %get3A_46 = vector.shape_cast %get3A_45 : vector<1x16xi32> to vector<16xi32>
    %shift_right_logical3A_47 = arith.constant 2 : i32
    %shift_right_logical3A_48 = vector.broadcast %shift_right_logical3A_47 : i32 to vector<16xi32>
    %shift_right_logical3A_49 = arith.shrui %get3A_46, %shift_right_logical3A_48 : vector<16xi32>
    %swap3A_50 = arith.constant 0 : i32
    %swap3A_51 = arith.index_cast %swap3A_50 : i32 to index
    %swap3A_52 = arith.constant 16 : index
    %swap3A_53 = tpu.vector_load %arg15[%swap3A_51, %swap3A_52] {strides = array<i32>} : memref<4x128xi32, #tpu.memory_space<vmem>>, vector<1x16xi32>,
    %swap3A_54 = vector.shape_cast %swap3A_53 : vector<1x16xi32> to vector<16xi32>
    %swap3A_55 = vector.shape_cast %shift_right_logical3A_49 : vector<16xi32> to vector<1x16xi32>
    tpu.vector_store %arg15[%swap3A_51, %swap3A_52], %swap3A_55 {strides = array<i32>} : memref<4x128xi32, #tpu.memory_space<vmem>>, vector<1x16xi32>,
    %get3A_56 = arith.constant 0 : i32
    %get3A_57 = arith.index_cast %get3A_56 : i32 to index
    %get3A_58 = arith.constant 32 : index
    %get3A_59 = tpu.vector_load %arg12[%get3A_57, %get3A_58] {strides = array<i32>} : memref<4x128xi32, #tpu.memory_space<vmem>>, vector<1x16xi32>,
    %get3A_60 = vector.shape_cast %get3A_59 : vector<1x16xi32> to vector<16xi32>
    %shift_right_logical3A_61 = arith.constant 2 : i32
    %shift_right_logical3A_62 = vector.broadcast %shift_right_logical3A_61 : i32 to vector<16xi32>
    %shift_right_logical3A_63 = arith.shrui %get3A_60, %shift_right_logical3A_62 : vector<16xi32>
    %swap3A_64 = arith.constant 0 : i32
    %swap3A_65 = arith.index_cast %swap3A_64 : i32 to index
    %swap3A_66 = arith.constant 32 : index
    %swap3A_67 = tpu.vector_load %arg14[%swap3A_65, %swap3A_66] {strides = array<i32>} : memref<4x128xi32, #tpu.memory_space<vmem>>, vector<1x16xi32>,
    %swap3A_68 = vector.shape_cast %swap3A_67 : vector<1x16xi32> to vector<16xi32>
    %swap3A_69 = vector.shape_cast %shift_right_logical3A_63 : vector<16xi32> to vector<1x16xi32>
    tpu.vector_store %arg14[%swap3A_65, %swap3A_66], %swap3A_69 {strides = array<i32>} : memref<4x128xi32, #tpu.memory_space<vmem>>, vector<1x16xi32>,
    %get3A_70 = arith.constant 0 : i32
    %get3A_71 = arith.index_cast %get3A_70 : i32 to index
    %get3A_72 = arith.constant 32 : index
    %get3A_73 = tpu.vector_load %arg13[%get3A_71, %get3A_72] {strides = array<i32>} : memref<4x128xi32, #tpu.memory_space<vmem>>, vector<1x16xi32>,
    %get3A_74 = vector.shape_cast %get3A_73 : vector<1x16xi32> to vector<16xi32>
    %shift_right_logical3A_75 = arith.constant 2 : i32
    %shift_right_logical3A_76 = vector.broadcast %shift_right_logical3A_75 : i32 to vector<16xi32>
    %shift_right_logical3A_77 = arith.shrui %get3A_74, %shift_right_logical3A_76 : vector<16xi32>
    %swap3A_78 = arith.constant 0 : i32
    %swap3A_79 = arith.index_cast %swap3A_78 : i32 to index
    %swap3A_80 = arith.constant 32 : index
    %swap3A_81 = tpu.vector_load %arg15[%swap3A_79, %swap3A_80] {strides = array<i32>} : memref<4x128xi32, #tpu.memory_space<vmem>>, vector<1x16xi32>,
    %swap3A_82 = vector.shape_cast %swap3A_81 : vector<1x16xi32> to vector<16xi32>
    %swap3A_83 = vector.shape_cast %shift_right_logical3A_77 : vector<16xi32> to vector<1x16xi32>
    tpu.vector_store %arg15[%swap3A_79, %swap3A_80], %swap3A_83 {strides = array<i32>} : memref<4x128xi32, #tpu.memory_space<vmem>>, vector<1x16xi32>,
    %get3A_84 = arith.constant 0 : i32
    %get3A_85 = arith.index_cast %get3A_84 : i32 to index
    %get3A_86 = arith.constant 48 : index
    %get3A_87 = tpu.vector_load %arg12[%get3A_85, %get3A_86] {strides = array<i32>} : memref<4x128xi32, #tpu.memory_space<vmem>>, vector<1x16xi32>,
    %get3A_88 = vector.shape_cast %get3A_87 : vector<1x16xi32> to vector<16xi32>
    %shift_right_logical3A_89 = arith.constant 2 : i32
    %shift_right_logical3A_90 = vector.broadcast %shift_right_logical3A_89 : i32 to vector<16xi32>
    %shift_right_logical3A_91 = arith.shrui %get3A_88, %shift_right_logical3A_90 : vector<16xi32>
    %swap3A_92 = arith.constant 0 : i32
    %swap3A_93 = arith.index_cast %swap3A_92 : i32 to index
    %swap3A_94 = arith.constant 48 : index
    %swap3A_95 = tpu.vector_load %arg14[%swap3A_93, %swap3A_94] {strides = array<i32>} : memref<4x128xi32, #tpu.memory_space<vmem>>, vector<1x16xi32>,
    %swap3A_96 = vector.shape_cast %swap3A_95 : vector<1x16xi32> to vector<16xi32>
    %swap3A_97 = vector.shape_cast %shift_right_logical3A_91 : vector<16xi32> to vector<1x16xi32>
    tpu.vector_store %arg14[%swap3A_93, %swap3A_94], %swap3A_97 {strides = array<i32>} : memref<4x128xi32, #tpu.memory_space<vmem>>, vector<1x16xi32>,
    %get3A_98 = arith.constant 0 : i32
    %get3A_99 = arith.index_cast %get3A_98 : i32 to index
    %get3A_100 = arith.constant 48 : index
    %get3A_101 = tpu.vector_load %arg13[%get3A_99, %get3A_100] {strides = array<i32>} : memref<4x128xi32, #tpu.memory_space<vmem>>, vector<1x16xi32>,
    %get3A_102 = vector.shape_cast %get3A_101 : vector<1x16xi32> to vector<16xi32>
    %shift_right_logical3A_103 = arith.constant 2 : i32
    %shift_right_logical3A_104 = vector.broadcast %shift_right_logical3A_103 : i32 to vector<16xi32>
    %shift_right_logical3A_105 = arith.shrui %get3A_102, %shift_right_logical3A_104 : vector<16xi32>
    %swap3A_106 = arith.constant 0 : i32
    %swap3A_107 = arith.index_cast %swap3A_106 : i32 to index
    %swap3A_108 = arith.constant 48 : index
    %swap3A_109 = tpu.vector_load %arg15[%swap3A_107, %swap3A_108] {strides = array<i32>} : memref<4x128xi32, #tpu.memory_space<vmem>>, vector<1x16xi32>,
    %swap3A_110 = vector.shape_cast %swap3A_109 : vector<1x16xi32> to vector<16xi32>
    %swap3A_111 = vector.shape_cast %shift_right_logical3A_105 : vector<16xi32> to vector<1x16xi32>
    tpu.vector_store %arg15[%swap3A_107, %swap3A_108], %swap3A_111 {strides = array<i32>} : memref<4x128xi32, #tpu.memory_space<vmem>>, vector<1x16xi32>,
    %get3A_112 = arith.constant 0 : i32
    %get3A_113 = arith.index_cast %get3A_112 : i32 to index
    %get3A_114 = arith.constant 64 : index
    %get3A_115 = tpu.vector_load %arg12[%get3A_113, %get3A_114] {strides = array<i32>} : memref<4x128xi32, #tpu.memory_space<vmem>>, vector<1x16xi32>,
    %get3A_116 = vector.shape_cast %get3A_115 : vector<1x16xi32> to vector<16xi32>
    %shift_right_logical3A_117 = arith.constant 2 : i32
    %shift_right_logical3A_118 = vector.broadcast %shift_right_logical3A_117 : i32 to vector<16xi32>
    %shift_right_logical3A_119 = arith.shrui %get3A_116, %shift_right_logical3A_118 : vector<16xi32>
    %swap3A_120 = arith.constant 0 : i32
    %swap3A_121 = arith.index_cast %swap3A_120 : i32 to index
    %swap3A_122 = arith.constant 64 : index
    %swap3A_123 = tpu.vector_load %arg14[%swap3A_121, %swap3A_122] {strides = array<i32>} : memref<4x128xi32, #tpu.memory_space<vmem>>, vector<1x16xi32>,
    %swap3A_124 = vector.shape_cast %swap3A_123 : vector<1x16xi32> to vector<16xi32>
    %swap3A_125 = vector.shape_cast %shift_right_logical3A_119 : vector<16xi32> to vector<1x16xi32>
    tpu.vector_store %arg14[%swap3A_121, %swap3A_122], %swap3A_125 {strides = array<i32>} : memref<4x128xi32, #tpu.memory_space<vmem>>, vector<1x16xi32>,
    %get3A_126 = arith.constant 0 : i32
    %get3A_127 = arith.index_cast %get3A_126 : i32 to index
    %get3A_128 = arith.constant 64 : index
    %get3A_129 = tpu.vector_load %arg13[%get3A_127, %get3A_128] {strides = array<i32>} : memref<4x128xi32, #tpu.memory_space<vmem>>, vector<1x16xi32>,
    %get3A_130 = vector.shape_cast %get3A_129 : vector<1x16xi32> to vector<16xi32>
    %shift_right_logical3A_131 = arith.constant 2 : i32
    %shift_right_logical3A_132 = vector.broadcast %shift_right_logical3A_131 : i32 to vector<16xi32>
    %shift_right_logical3A_133 = arith.shrui %get3A_130, %shift_right_logical3A_132 : vector<16xi32>
    %swap3A_134 = arith.constant 0 : i32
    %swap3A_135 = arith.index_cast %swap3A_134 : i32 to index
    %swap3A_136 = arith.constant 64 : index
    %swap3A_137 = tpu.vector_load %arg15[%swap3A_135, %swap3A_136] {strides = array<i32>} : memref<4x128xi32, #tpu.memory_space<vmem>>, vector<1x16xi32>,
    %swap3A_138 = vector.shape_cast %swap3A_137 : vector<1x16xi32> to vector<16xi32>
    %swap3A_139 = vector.shape_cast %shift_right_logical3A_133 : vector<16xi32> to vector<1x16xi32>
    tpu.vector_store %arg15[%swap3A_135, %swap3A_136], %swap3A_139 {strides = array<i32>} : memref<4x128xi32, #tpu.memory_space<vmem>>, vector<1x16xi32>,
    %get3A_140 = arith.constant 0 : i32
    %get3A_141 = arith.index_cast %get3A_140 : i32 to index
    %get3A_142 = arith.constant 80 : index
    %get3A_143 = tpu.vector_load %arg12[%get3A_141, %get3A_142] {strides = array<i32>} : memref<4x128xi32, #tpu.memory_space<vmem>>, vector<1x16xi32>,
    %get3A_144 = vector.shape_cast %get3A_143 : vector<1x16xi32> to vector<16xi32>
    %shift_right_logical3A_145 = arith.constant 2 : i32
    %shift_right_logical3A_146 = vector.broadcast %shift_right_logical3A_145 : i32 to vector<16xi32>
    %shift_right_logical3A_147 = arith.shrui %get3A_144, %shift_right_logical3A_146 : vector<16xi32>
    %swap3A_148 = arith.constant 0 : i32
    %swap3A_149 = arith.index_cast %swap3A_148 : i32 to index
    %swap3A_150 = arith.constant 80 : index
    %swap3A_151 = tpu.vector_load %arg14[%swap3A_149, %swap3A_150] {strides = array<i32>} : memref<4x128xi32, #tpu.memory_space<vmem>>, vector<1x16xi32>,
    %swap3A_152 = vector.shape_cast %swap3A_151 : vector<1x16xi32> to vector<16xi32>
    %swap3A_153 = vector.shape_cast %shift_right_logical3A_147 : vector<16xi32> to vector<1x16xi32>
    tpu.vector_store %arg14[%swap3A_149, %swap3A_150], %swap3A_153 {strides = array<i32>} : memref<4x128xi32, #tpu.memory_space<vmem>>, vector<1x16xi32>,
    %get3A_154 = arith.constant 0 : i32
    %get3A_155 = arith.index_cast %get3A_154 : i32 to index
    %get3A_156 = arith.constant 80 : index
    %get3A_157 = tpu.vector_load %arg13[%get3A_155, %get3A_156] {strides = array<i32>} : memref<4x128xi32, #tpu.memory_space<vmem>>, vector<1x16xi32>,
    %get3A_158 = vector.shape_cast %get3A_157 : vector<1x16xi32> to vector<16xi32>
    %shift_right_logical3A_159 = arith.constant 2 : i32
    %shift_right_logical3A_160 = vector.broadcast %shift_right_logical3A_159 : i32 to vector<16xi32>
    %shift_right_logical3A_161 = arith.shrui %get3A_158, %shift_right_logical3A_160 : vector<16xi32>
    %swap3A_162 = arith.constant 0 : i32
    %swap3A_163 = arith.index_cast %swap3A_162 : i32 to index
    %swap3A_164 = arith.constant 80 : index
    %swap3A_165 = tpu.vector_load %arg15[%swap3A_163, %swap3A_164] {strides = array<i32>} : memref<4x128xi32, #tpu.memory_space<vmem>>, vector<1x16xi32>,
    %swap3A_166 = vector.shape_cast %swap3A_165 : vector<1x16xi32> to vector<16xi32>
    %swap3A_167 = vector.shape_cast %shift_right_logical3A_161 : vector<16xi32> to vector<1x16xi32>
    tpu.vector_store %arg15[%swap3A_163, %swap3A_164], %swap3A_167 {strides = array<i32>} : memref<4x128xi32, #tpu.memory_space<vmem>>, vector<1x16xi32>,
    %get3A_168 = arith.constant 0 : i32
    %get3A_169 = arith.index_cast %get3A_168 : i32 to index
    %get3A_170 = arith.constant 96 : index
    %get3A_171 = tpu.vector_load %arg12[%get3A_169, %get3A_170] {strides = array<i32>} : memref<4x128xi32, #tpu.memory_space<vmem>>, vector<1x16xi32>,
    %get3A_172 = vector.shape_cast %get3A_171 : vector<1x16xi32> to vector<16xi32>
    %shift_right_logical3A_173 = arith.constant 2 : i32
    %shift_right_logical3A_174 = vector.broadcast %shift_right_logical3A_173 : i32 to vector<16xi32>
    %shift_right_logical3A_175 = arith.shrui %get3A_172, %shift_right_logical3A_174 : vector<16xi32>
    %swap3A_176 = arith.constant 0 : i32
    %swap3A_177 = arith.index_cast %swap3A_176 : i32 to index
    %swap3A_178 = arith.constant 96 : index
    %swap3A_179 = tpu.vector_load %arg14[%swap3A_177, %swap3A_178] {strides = array<i32>} : memref<4x128xi32, #tpu.memory_space<vmem>>, vector<1x16xi32>,
    %swap3A_180 = vector.shape_cast %swap3A_179 : vector<1x16xi32> to vector<16xi32>
    %swap3A_181 = vector.shape_cast %shift_right_logical3A_175 : vector<16xi32> to vector<1x16xi32>
    tpu.vector_store %arg14[%swap3A_177, %swap3A_178], %swap3A_181 {strides = array<i32>} : memref<4x128xi32, #tpu.memory_space<vmem>>, vector<1x16xi32>,
    %get3A_182 = arith.constant 0 : i32
    %get3A_183 = arith.index_cast %get3A_182 : i32 to index
    %get3A_184 = arith.constant 96 : index
    %get3A_185 = tpu.vector_load %arg13[%get3A_183, %get3A_184] {strides = array<i32>} : memref<4x128xi32, #tpu.memory_space<vmem>>, vector<1x16xi32>,
    %get3A_186 = vector.shape_cast %get3A_185 : vector<1x16xi32> to vector<16xi32>
    %shift_right_logical3A_187 = arith.constant 2 : i32
    %shift_right_logical3A_188 = vector.broadcast %shift_right_logical3A_187 : i32 to vector<16xi32>
    %shift_right_logical3A_189 = arith.shrui %get3A_186, %shift_right_logical3A_188 : vector<16xi32>
    %swap3A_190 = arith.constant 0 : i32
    %swap3A_191 = arith.index_cast %swap3A_190 : i32 to index
    %swap3A_192 = arith.constant 96 : index
    %swap3A_193 = tpu.vector_load %arg15[%swap3A_191, %swap3A_192] {strides = array<i32>} : memref<4x128xi32, #tpu.memory_space<vmem>>, vector<1x16xi32>,
    %swap3A_194 = vector.shape_cast %swap3A_193 : vector<1x16xi32> to vector<16xi32>
    %swap3A_195 = vector.shape_cast %shift_right_logical3A_189 : vector<16xi32> to vector<1x16xi32>
    tpu.vector_store %arg15[%swap3A_191, %swap3A_192], %swap3A_195 {strides = array<i32>} : memref<4x128xi32, #tpu.memory_space<vmem>>, vector<1x16xi32>,
    %get3A_196 = arith.constant 0 : i32
    %get3A_197 = arith.index_cast %get3A_196 : i32 to index
    %get3A_198 = arith.constant 112 : index
    %get3A_199 = tpu.vector_load %arg12[%get3A_197, %get3A_198] {strides = array<i32>} : memref<4x128xi32, #tpu.memory_space<vmem>>, vector<1x16xi32>,
    %get3A_200 = vector.shape_cast %get3A_199 : vector<1x16xi32> to vector<16xi32>
    %shift_right_logical3A_201 = arith.constant 2 : i32
    %shift_right_logical3A_202 = vector.broadcast %shift_right_logical3A_201 : i32 to vector<16xi32>
    %shift_right_logical3A_203 = arith.shrui %get3A_200, %shift_right_logical3A_202 : vector<16xi32>
    %swap3A_204 = arith.constant 0 : i32
    %swap3A_205 = arith.index_cast %swap3A_204 : i32 to index
    %swap3A_206 = arith.constant 112 : index
    %swap3A_207 = tpu.vector_load %arg14[%swap3A_205, %swap3A_206] {strides = array<i32>} : memref<4x128xi32, #tpu.memory_space<vmem>>, vector<1x16xi32>,
    %swap3A_208 = vector.shape_cast %swap3A_207 : vector<1x16xi32> to vector<16xi32>
    %swap3A_209 = vector.shape_cast %shift_right_logical3A_203 : vector<16xi32> to vector<1x16xi32>
    tpu.vector_store %arg14[%swap3A_205, %swap3A_206], %swap3A_209 {strides = array<i32>} : memref<4x128xi32, #tpu.memory_space<vmem>>, vector<1x16xi32>,
    %get3A_210 = arith.constant 0 : i32
    %get3A_211 = arith.index_cast %get3A_210 : i32 to index
    %get3A_212 = arith.constant 112 : index
    %get3A_213 = tpu.vector_load %arg13[%get3A_211, %get3A_212] {strides = array<i32>} : memref<4x128xi32, #tpu.memory_space<vmem>>, vector<1x16xi32>,
    %get3A_214 = vector.shape_cast %get3A_213 : vector<1x16xi32> to vector<16xi32>
    %shift_right_logical3A_215 = arith.constant 2 : i32
    %shift_right_logical3A_216 = vector.broadcast %shift_right_logical3A_215 : i32 to vector<16xi32>
    %shift_right_logical3A_217 = arith.shrui %get3A_214, %shift_right_logical3A_216 : vector<16xi32>
    %swap3A_218 = arith.constant 0 : i32
    %swap3A_219 = arith.index_cast %swap3A_218 : i32 to index
    %swap3A_220 = arith.constant 112 : index
    %swap3A_221 = tpu.vector_load %arg15[%swap3A_219, %swap3A_220] {strides = array<i32>} : memref<4x128xi32, #tpu.memory_space<vmem>>, vector<1x16xi32>,
    %swap3A_222 = vector.shape_cast %swap3A_221 : vector<1x16xi32> to vector<16xi32>
    %swap3A_223 = vector.shape_cast %shift_right_logical3A_217 : vector<16xi32> to vector<1x16xi32>
    tpu.vector_store %arg15[%swap3A_219, %swap3A_220], %swap3A_223 {strides = array<i32>} : memref<4x128xi32, #tpu.memory_space<vmem>>, vector<1x16xi32>,
    %get3A_224 = arith.constant 1 : i32
    %get3A_225 = arith.index_cast %get3A_224 : i32 to index
    %get3A_226 = arith.constant 0 : index
    %get3A_227 = tpu.vector_load %arg12[%get3A_225, %get3A_226] {strides = array<i32>} : memref<4x128xi32, #tpu.memory_space<vmem>>, vector<1x16xi32>,
    %get3A_228 = vector.shape_cast %get3A_227 : vector<1x16xi32> to vector<16xi32>
    %shift_right_logical3A_229 = arith.constant 2 : i32
    %shift_right_logical3A_230 = vector.broadcast %shift_right_logical3A_229 : i32 to vector<16xi32>
    %shift_right_logical3A_231 = arith.shrui %get3A_228, %shift_right_logical3A_230 : vector<16xi32>
    %swap3A_232 = arith.constant 1 : i32
    %swap3A_233 = arith.index_cast %swap3A_232 : i32 to index
    %swap3A_234 = arith.constant 0 : index
    %swap3A_235 = tpu.vector_load %arg14[%swap3A_233, %swap3A_234] {strides = array<i32>} : memref<4x128xi32, #tpu.memory_space<vmem>>, vector<1x16xi32>,
    %swap3A_236 = vector.shape_cast %swap3A_235 : vector<1x16xi32> to vector<16xi32>
    %swap3A_237 = vector.shape_cast %shift_right_logical3A_231 : vector<16xi32> to vector<1x16xi32>
    tpu.vector_store %arg14[%swap3A_233, %swap3A_234], %swap3A_237 {strides = array<i32>} : memref<4x128xi32, #tpu.memory_space<vmem>>, vector<1x16xi32>,
    %get3A_238 = arith.constant 1 : i32
    %get3A_239 = arith.index_cast %get3A_238 : i32 to index
    %get3A_240 = arith.constant 0 : index
    %get3A_241 = tpu.vector_load %arg13[%get3A_239, %get3A_240] {strides = array<i32>} : memref<4x128xi32, #tpu.memory_space<vmem>>, vector<1x16xi32>,
    %get3A_242 = vector.shape_cast %get3A_241 : vector<1x16xi32> to vector<16xi32>
    %shift_right_logical3A_243 = arith.constant 2 : i32
    %shift_right_logical3A_244 = vector.broadcast %shift_right_logical3A_243 : i32 to vector<16xi32>
    %shift_right_logical3A_245 = arith.shrui %get3A_242, %shift_right_logical3A_244 : vector<16xi32>
    %swap3A_246 = arith.constant 1 : i32
    %swap3A_247 = arith.index_cast %swap3A_246 : i32 to index
    %swap3A_248 = arith.constant 0 : index
    %swap3A_249 = tpu.vector_load %arg15[%swap3A_247, %swap3A_248] {strides = array<i32>} : memref<4x128xi32, #tpu.memory_space<vmem>>, vector<1x16xi32>,
    %swap3A_250 = vector.shape_cast %swap3A_249 : vector<1x16xi32> to vector<16xi32>
    %swap3A_251 = vector.shape_cast %shift_right_logical3A_245 : vector<16xi32> to vector<1x16xi32>
    tpu.vector_store %arg15[%swap3A_247, %swap3A_248], %swap3A_251 {strides = array<i32>} : memref<4x128xi32, #tpu.memory_space<vmem>>, vector<1x16xi32>,
    %get3A_252 = arith.constant 1 : i32
    %get3A_253 = arith.index_cast %get3A_252 : i32 to index
    %get3A_254 = arith.constant 16 : index
    %get3A_255 = tpu.vector_load %arg12[%get3A_253, %get3A_254] {strides = array<i32>} : memref<4x128xi32, #tpu.memory_space<vmem>>, vector<1x16xi32>,
    %get3A_256 = vector.shape_cast %get3A_255 : vector<1x16xi32> to vector<16xi32>
    %shift_right_logical3A_257 = arith.constant 2 : i32
    %shift_right_logical3A_258 = vector.broadcast %shift_right_logical3A_257 : i32 to vector<16xi32>
    %shift_right_logical3A_259 = arith.shrui %get3A_256, %shift_right_logical3A_258 : vector<16xi32>
    %swap3A_260 = arith.constant 1 : i32
    %swap3A_261 = arith.index_cast %swap3A_260 : i32 to index
    %swap3A_262 = arith.constant 16 : index
    %swap3A_263 = tpu.vector_load %arg14[%swap3A_261, %swap3A_262] {strides = array<i32>} : memref<4x128xi32, #tpu.memory_space<vmem>>, vector<1x16xi32>,
    %swap3A_264 = vector.shape_cast %swap3A_263 : vector<1x16xi32> to vector<16xi32>
    %swap3A_265 = vector.shape_cast %shift_right_logical3A_259 : vector<16xi32> to vector<1x16xi32>
    tpu.vector_store %arg14[%swap3A_261, %swap3A_262], %swap3A_265 {strides = array<i32>} : memref<4x128xi32, #tpu.memory_space<vmem>>, vector<1x16xi32>,
    %get3A_266 = arith.constant 1 : i32
    %get3A_267 = arith.index_cast %get3A_266 : i32 to index
    %get3A_268 = arith.constant 16 : index
    %get3A_269 = tpu.vector_load %arg13[%get3A_267, %get3A_268] {strides = array<i32>} : memref<4x128xi32, #tpu.memory_space<vmem>>, vector<1x16xi32>,
    %get3A_270 = vector.shape_cast %get3A_269 : vector<1x16xi32> to vector<16xi32>
    %shift_right_logical3A_271 = arith.constant 2 : i32
    %shift_right_logical3A_272 = vector.broadcast %shift_right_logical3A_271 : i32 to vector<16xi32>
    %shift_right_logical3A_273 = arith.shrui %get3A_270, %shift_right_logical3A_272 : vector<16xi32>
    %swap3A_274 = arith.constant 1 : i32
    %swap3A_275 = arith.index_cast %swap3A_274 : i32 to index
    %swap3A_276 = arith.constant 16 : index
    %swap3A_277 = tpu.vector_load %arg15[%swap3A_275, %swap3A_276] {strides = array<i32>} : memref<4x128xi32, #tpu.memory_space<vmem>>, vector<1x16xi32>,
    %swap3A_278 = vector.shape_cast %swap3A_277 : vector<1x16xi32> to vector<16xi32>
    %swap3A_279 = vector.shape_cast %shift_right_logical3A_273 : vector<16xi32> to vector<1x16xi32>
    tpu.vector_store %arg15[%swap3A_275, %swap3A_276], %swap3A_279 {strides = array<i32>} : memref<4x128xi32, #tpu.memory_space<vmem>>, vector<1x16xi32>,
    %get3A_280 = arith.constant 1 : i32
    %get3A_281 = arith.index_cast %get3A_280 : i32 to index
    %get3A_282 = arith.constant 32 : index
    %get3A_283 = tpu.vector_load %arg12[%get3A_281, %get3A_282] {strides = array<i32>} : memref<4x128xi32, #tpu.memory_space<vmem>>, vector<1x16xi32>,
    %get3A_284 = vector.shape_cast %get3A_283 : vector<1x16xi32> to vector<16xi32>
    %shift_right_logical3A_285 = arith.constant 2 : i32
    %shift_right_logical3A_286 = vector.broadcast %shift_right_logical3A_285 : i32 to vector<16xi32>
    %shift_right_logical3A_287 = arith.shrui %get3A_284, %shift_right_logical3A_286 : vector<16xi32>
    %swap3A_288 = arith.constant 1 : i32
    %swap3A_289 = arith.index_cast %swap3A_288 : i32 to index
    %swap3A_290 = arith.constant 32 : index
    %swap3A_291 = tpu.vector_load %arg14[%swap3A_289, %swap3A_290] {strides = array<i32>} : memref<4x128xi32, #tpu.memory_space<vmem>>, vector<1x16xi32>,
    %swap3A_292 = vector.shape_cast %swap3A_291 : vector<1x16xi32> to vector<16xi32>
    %swap3A_293 = vector.shape_cast %shift_right_logical3A_287 : vector<16xi32> to vector<1x16xi32>
    tpu.vector_store %arg14[%swap3A_289, %swap3A_290], %swap3A_293 {strides = array<i32>} : memref<4x128xi32, #tpu.memory_space<vmem>>, vector<1x16xi32>,
    %get3A_294 = arith.constant 1 : i32
    %get3A_295 = arith.index_cast %get3A_294 : i32 to index
    %get3A_296 = arith.constant 32 : index
    %get3A_297 = tpu.vector_load %arg13[%get3A_295, %get3A_296] {strides = array<i32>} : memref<4x128xi32, #tpu.memory_space<vmem>>, vector<1x16xi32>,
    %get3A_298 = vector.shape_cast %get3A_297 : vector<1x16xi32> to vector<16xi32>
    %shift_right_logical3A_299 = arith.constant 2 : i32
    %shift_right_logical3A_300 = vector.broadcast %shift_right_logical3A_299 : i32 to vector<16xi32>
    %shift_right_logical3A_301 = arith.shrui %get3A_298, %shift_right_logical3A_300 : vector<16xi32>
    %swap3A_302 = arith.constant 1 : i32
    %swap3A_303 = arith.index_cast %swap3A_302 : i32 to index
    %swap3A_304 = arith.constant 32 : index
    %swap3A_305 = tpu.vector_load %arg15[%swap3A_303, %swap3A_304] {strides = array<i32>} : memref<4x128xi32, #tpu.memory_space<vmem>>, vector<1x16xi32>,
    %swap3A_306 = vector.shape_cast %swap3A_305 : vector<1x16xi32> to vector<16xi32>
    %swap3A_307 = vector.shape_cast %shift_right_logical3A_301 : vector<16xi32> to vector<1x16xi32>
    tpu.vector_store %arg15[%swap3A_303, %swap3A_304], %swap3A_307 {strides = array<i32>} : memref<4x128xi32, #tpu.memory_space<vmem>>, vector<1x16xi32>,
    %get3A_308 = arith.constant 1 : i32
    %get3A_309 = arith.index_cast %get3A_308 : i32 to index
    %get3A_310 = arith.constant 48 : index
    %get3A_311 = tpu.vector_load %arg12[%get3A_309, %get3A_310] {strides = array<i32>} : memref<4x128xi32, #tpu.memory_space<vmem>>, vector<1x16xi32>,
    %get3A_312 = vector.shape_cast %get3A_311 : vector<1x16xi32> to vector<16xi32>
    %shift_right_logical3A_313 = arith.constant 2 : i32
    %shift_right_logical3A_314 = vector.broadcast %shift_right_logical3A_313 : i32 to vector<16xi32>
    %shift_right_logical3A_315 = arith.shrui %get3A_312, %shift_right_logical3A_314 : vector<16xi32>
    %swap3A_316 = arith.constant 1 : i32
    %swap3A_317 = arith.index_cast %swap3A_316 : i32 to index
    %swap3A_318 = arith.constant 48 : index
    %swap3A_319 = tpu.vector_load %arg14[%swap3A_317, %swap3A_318] {strides = array<i32>} : memref<4x128xi32, #tpu.memory_space<vmem>>, vector<1x16xi32>,
    %swap3A_320 = vector.shape_cast %swap3A_319 : vector<1x16xi32> to vector<16xi32>
    %swap3A_321 = vector.shape_cast %shift_right_logical3A_315 : vector<16xi32> to vector<1x16xi32>
    tpu.vector_store %arg14[%swap3A_317, %swap3A_318], %swap3A_321 {strides = array<i32>} : memref<4x128xi32, #tpu.memory_space<vmem>>, vector<1x16xi32>,
    %get3A_322 = arith.constant 1 : i32
    %get3A_323 = arith.index_cast %get3A_322 : i32 to index
    %get3A_324 = arith.constant 48 : index
    %get3A_325 = tpu.vector_load %arg13[%get3A_323, %get3A_324] {strides = array<i32>} : memref<4x128xi32, #tpu.memory_space<vmem>>, vector<1x16xi32>,
    %get3A_326 = vector.shape_cast %get3A_325 : vector<1x16xi32> to vector<16xi32>
    %shift_right_logical3A_327 = arith.constant 2 : i32
    %shift_right_logical3A_328 = vector.broadcast %shift_right_logical3A_327 : i32 to vector<16xi32>
    %shift_right_logical3A_329 = arith.shrui %get3A_326, %shift_right_logical3A_328 : vector<16xi32>
    %swap3A_330 = arith.constant 1 : i32
    %swap3A_331 = arith.index_cast %swap3A_330 : i32 to index
    %swap3A_332 = arith.constant 48 : index
    %swap3A_333 = tpu.vector_load %arg15[%swap3A_331, %swap3A_332] {strides = array<i32>} : memref<4x128xi32, #tpu.memory_space<vmem>>, vector<1x16xi32>,
    %swap3A_334 = vector.shape_cast %swap3A_333 : vector<1x16xi32> to vector<16xi32>
    %swap3A_335 = vector.shape_cast %shift_right_logical3A_329 : vector<16xi32> to vector<1x16xi32>
    tpu.vector_store %arg15[%swap3A_331, %swap3A_332], %swap3A_335 {strides = array<i32>} : memref<4x128xi32, #tpu.memory_space<vmem>>, vector<1x16xi32>,
    %get3A_336 = arith.constant 1 : i32
    %get3A_337 = arith.index_cast %get3A_336 : i32 to index
    %get3A_338 = arith.constant 64 : index
    %get3A_339 = tpu.vector_load %arg12[%get3A_337, %get3A_338] {strides = array<i32>} : memref<4x128xi32, #tpu.memory_space<vmem>>, vector<1x16xi32>,
    %get3A_340 = vector.shape_cast %get3A_339 : vector<1x16xi32> to vector<16xi32>
    %shift_right_logical3A_341 = arith.constant 2 : i32
    %shift_right_logical3A_342 = vector.broadcast %shift_right_logical3A_341 : i32 to vector<16xi32>
    %shift_right_logical3A_343 = arith.shrui %get3A_340, %shift_right_logical3A_342 : vector<16xi32>
    %swap3A_344 = arith.constant 1 : i32
    %swap3A_345 = arith.index_cast %swap3A_344 : i32 to index
    %swap3A_346 = arith.constant 64 : index
    %swap3A_347 = tpu.vector_load %arg14[%swap3A_345, %swap3A_346] {strides = array<i32>} : memref<4x128xi32, #tpu.memory_space<vmem>>, vector<1x16xi32>,
    %swap3A_348 = vector.shape_cast %swap3A_347 : vector<1x16xi32> to vector<16xi32>
    %swap3A_349 = vector.shape_cast %shift_right_logical3A_343 : vector<16xi32> to vector<1x16xi32>
    tpu.vector_store %arg14[%swap3A_345, %swap3A_346], %swap3A_349 {strides = array<i32>} : memref<4x128xi32, #tpu.memory_space<vmem>>, vector<1x16xi32>,
    %get3A_350 = arith.constant 1 : i32
    %get3A_351 = arith.index_cast %get3A_350 : i32 to index
    %get3A_352 = arith.constant 64 : index
    %get3A_353 = tpu.vector_load %arg13[%get3A_351, %get3A_352] {strides = array<i32>} : memref<4x128xi32, #tpu.memory_space<vmem>>, vector<1x16xi32>,
    %get3A_354 = vector.shape_cast %get3A_353 : vector<1x16xi32> to vector<16xi32>
    %shift_right_logical3A_355 = arith.constant 2 : i32
    %shift_right_logical3A_356 = vector.broadcast %shift_right_logical3A_355 : i32 to vector<16xi32>
    %shift_right_logical3A_357 = arith.shrui %get3A_354, %shift_right_logical3A_356 : vector<16xi32>
    %swap3A_358 = arith.constant 1 : i32
    %swap3A_359 = arith.index_cast %swap3A_358 : i32 to index
    %swap3A_360 = arith.constant 64 : index
    %swap3A_361 = tpu.vector_load %arg15[%swap3A_359, %swap3A_360] {strides = array<i32>} : memref<4x128xi32, #tpu.memory_space<vmem>>, vector<1x16xi32>,
    %swap3A_362 = vector.shape_cast %swap3A_361 : vector<1x16xi32> to vector<16xi32>
    %swap3A_363 = vector.shape_cast %shift_right_logical3A_357 : vector<16xi32> to vector<1x16xi32>
    tpu.vector_store %arg15[%swap3A_359, %swap3A_360], %swap3A_363 {strides = array<i32>} : memref<4x128xi32, #tpu.memory_space<vmem>>, vector<1x16xi32>,
    %get3A_364 = arith.constant 1 : i32
    %get3A_365 = arith.index_cast %get3A_364 : i32 to index
    %get3A_366 = arith.constant 80 : index
    %get3A_367 = tpu.vector_load %arg12[%get3A_365, %get3A_366] {strides = array<i32>} : memref<4x128xi32, #tpu.memory_space<vmem>>, vector<1x16xi32>,
    %get3A_368 = vector.shape_cast %get3A_367 : vector<1x16xi32> to vector<16xi32>
    %shift_right_logical3A_369 = arith.constant 2 : i32
    %shift_right_logical3A_370 = vector.broadcast %shift_right_logical3A_369 : i32 to vector<16xi32>
    %shift_right_logical3A_371 = arith.shrui %get3A_368, %shift_right_logical3A_370 : vector<16xi32>
    %swap3A_372 = arith.constant 1 : i32
    %swap3A_373 = arith.index_cast %swap3A_372 : i32 to index
    %swap3A_374 = arith.constant 80 : index
    %swap3A_375 = tpu.vector_load %arg14[%swap3A_373, %swap3A_374] {strides = array<i32>} : memref<4x128xi32, #tpu.memory_space<vmem>>, vector<1x16xi32>,
    %swap3A_376 = vector.shape_cast %swap3A_375 : vector<1x16xi32> to vector<16xi32>
    %swap3A_377 = vector.shape_cast %shift_right_logical3A_371 : vector<16xi32> to vector<1x16xi32>
    tpu.vector_store %arg14[%swap3A_373, %swap3A_374], %swap3A_377 {strides = array<i32>} : memref<4x128xi32, #tpu.memory_space<vmem>>, vector<1x16xi32>,
    %get3A_378 = arith.constant 1 : i32
    %get3A_379 = arith.index_cast %get3A_378 : i32 to index
    %get3A_380 = arith.constant 80 : index
    %get3A_381 = tpu.vector_load %arg13[%get3A_379, %get3A_380] {strides = array<i32>} : memref<4x128xi32, #tpu.memory_space<vmem>>, vector<1x16xi32>,
    %get3A_382 = vector.shape_cast %get3A_381 : vector<1x16xi32> to vector<16xi32>
    %shift_right_logical3A_383 = arith.constant 2 : i32
    %shift_right_logical3A_384 = vector.broadcast %shift_right_logical3A_383 : i32 to vector<16xi32>
    %shift_right_logical3A_385 = arith.shrui %get3A_382, %shift_right_logical3A_384 : vector<16xi32>
    %swap3A_386 = arith.constant 1 : i32
    %swap3A_387 = arith.index_cast %swap3A_386 : i32 to index
    %swap3A_388 = arith.constant 80 : index
    %swap3A_389 = tpu.vector_load %arg15[%swap3A_387, %swap3A_388] {strides = array<i32>} : memref<4x128xi32, #tpu.memory_space<vmem>>, vector<1x16xi32>,
    %swap3A_390 = vector.shape_cast %swap3A_389 : vector<1x16xi32> to vector<16xi32>
    %swap3A_391 = vector.shape_cast %shift_right_logical3A_385 : vector<16xi32> to vector<1x16xi32>
    tpu.vector_store %arg15[%swap3A_387, %swap3A_388], %swap3A_391 {strides = array<i32>} : memref<4x128xi32, #tpu.memory_space<vmem>>, vector<1x16xi32>,
    %get3A_392 = arith.constant 1 : i32
    %get3A_393 = arith.index_cast %get3A_392 : i32 to index
    %get3A_394 = arith.constant 96 : index
    %get3A_395 = tpu.vector_load %arg12[%get3A_393, %get3A_394] {strides = array<i32>} : memref<4x128xi32, #tpu.memory_space<vmem>>, vector<1x16xi32>,
    %get3A_396 = vector.shape_cast %get3A_395 : vector<1x16xi32> to vector<16xi32>
    %shift_right_logical3A_397 = arith.constant 2 : i32
    %shift_right_logical3A_398 = vector.broadcast %shift_right_logical3A_397 : i32 to vector<16xi32>
    %shift_right_logical3A_399 = arith.shrui %get3A_396, %shift_right_logical3A_398 : vector<16xi32>
    %swap3A_400 = arith.constant 1 : i32
    %swap3A_401 = arith.index_cast %swap3A_400 : i32 to index
    %swap3A_402 = arith.constant 96 : index
    %swap3A_403 = tpu.vector_load %arg14[%swap3A_401, %swap3A_402] {strides = array<i32>} : memref<4x128xi32, #tpu.memory_space<vmem>>, vector<1x16xi32>,
    %swap3A_404 = vector.shape_cast %swap3A_403 : vector<1x16xi32> to vector<16xi32>
    %swap3A_405 = vector.shape_cast %shift_right_logical3A_399 : vector<16xi32> to vector<1x16xi32>
    tpu.vector_store %arg14[%swap3A_401, %swap3A_402], %swap3A_405 {strides = array<i32>} : memref<4x128xi32, #tpu.memory_space<vmem>>, vector<1x16xi32>,
    %get3A_406 = arith.constant 1 : i32
    %get3A_407 = arith.index_cast %get3A_406 : i32 to index
    %get3A_408 = arith.constant 96 : index
    %get3A_409 = tpu.vector_load %arg13[%get3A_407, %get3A_408] {strides = array<i32>} : memref<4x128xi32, #tpu.memory_space<vmem>>, vector<1x16xi32>,
    %get3A_410 = vector.shape_cast %get3A_409 : vector<1x16xi32> to vector<16xi32>
    %shift_right_logical3A_411 = arith.constant 2 : i32
    %shift_right_logical3A_412 = vector.broadcast %shift_right_logical3A_411 : i32 to vector<16xi32>
    %shift_right_logical3A_413 = arith.shrui %get3A_410, %shift_right_logical3A_412 : vector<16xi32>
    %swap3A_414 = arith.constant 1 : i32
    %swap3A_415 = arith.index_cast %swap3A_414 : i32 to index
    %swap3A_416 = arith.constant 96 : index
    %swap3A_417 = tpu.vector_load %arg15[%swap3A_415, %swap3A_416] {strides = array<i32>} : memref<4x128xi32, #tpu.memory_space<vmem>>, vector<1x16xi32>,
    %swap3A_418 = vector.shape_cast %swap3A_417 : vector<1x16xi32> to vector<16xi32>
    %swap3A_419 = vector.shape_cast %shift_right_logical3A_413 : vector<16xi32> to vector<1x16xi32>
    tpu.vector_store %arg15[%swap3A_415, %swap3A_416], %swap3A_419 {strides = array<i32>} : memref<4x128xi32, #tpu.memory_space<vmem>>, vector<1x16xi32>,
    %get3A_420 = arith.constant 1 : i32
    %get3A_421 = arith.index_cast %get3A_420 : i32 to index
    %get3A_422 = arith.constant 112 : index
    %get3A_423 = tpu.vector_load %arg12[%get3A_421, %get3A_422] {strides = array<i32>} : memref<4x128xi32, #tpu.memory_space<vmem>>, vector<1x16xi32>,
    %get3A_424 = vector.shape_cast %get3A_423 : vector<1x16xi32> to vector<16xi32>
    %shift_right_logical3A_425 = arith.constant 2 : i32
    %shift_right_logical3A_426 = vector.broadcast %shift_right_logical3A_425 : i32 to vector<16xi32>
    %shift_right_logical3A_427 = arith.shrui %get3A_424, %shift_right_logical3A_426 : vector<16xi32>
    %swap3A_428 = arith.constant 1 : i32
    %swap3A_429 = arith.index_cast %swap3A_428 : i32 to index
    %swap3A_430 = arith.constant 112 : index
    %swap3A_431 = tpu.vector_load %arg14[%swap3A_429, %swap3A_430] {strides = array<i32>} : memref<4x128xi32, #tpu.memory_space<vmem>>, vector<1x16xi32>,
    %swap3A_432 = vector.shape_cast %swap3A_431 : vector<1x16xi32> to vector<16xi32>
    %swap3A_433 = vector.shape_cast %shift_right_logical3A_427 : vector<16xi32> to vector<1x16xi32>
    tpu.vector_store %arg14[%swap3A_429, %swap3A_430], %swap3A_433 {strides = array<i32>} : memref<4x128xi32, #tpu.memory_space<vmem>>, vector<1x16xi32>,
    %get3A_434 = arith.constant 1 : i32
    %get3A_435 = arith.index_cast %get3A_434 : i32 to index
    %get3A_436 = arith.constant 112 : index
    %get3A_437 = tpu.vector_load %arg13[%get3A_435, %get3A_436] {strides = array<i32>} : memref<4x128xi32, #tpu.memory_space<vmem>>, vector<1x16xi32>,
    %get3A_438 = vector.shape_cast %get3A_437 : vector<1x16xi32> to vector<16xi32>
    %shift_right_logical3A_439 = arith.constant 2 : i32
    %shift_right_logical3A_440 = vector.broadcast %shift_right_logical3A_439 : i32 to vector<16xi32>
    %shift_right_logical3A_441 = arith.shrui %get3A_438, %shift_right_logical3A_440 : vector<16xi32>
    %swap3A_442 = arith.constant 1 : i32
    %swap3A_443 = arith.index_cast %swap3A_442 : i32 to index
    %swap3A_444 = arith.constant 112 : index
    %swap3A_445 = tpu.vector_load %arg15[%swap3A_443, %swap3A_444] {strides = array<i32>} : memref<4x128xi32, #tpu.memory_space<vmem>>, vector<1x16xi32>,
    %swap3A_446 = vector.shape_cast %swap3A_445 : vector<1x16xi32> to vector<16xi32>
    %swap3A_447 = vector.shape_cast %shift_right_logical3A_441 : vector<16xi32> to vector<1x16xi32>
    tpu.vector_store %arg15[%swap3A_443, %swap3A_444], %swap3A_447 {strides = array<i32>} : memref<4x128xi32, #tpu.memory_space<vmem>>, vector<1x16xi32>,
    %get3A_448 = arith.constant 2 : i32
    %get3A_449 = arith.index_cast %get3A_448 : i32 to index
    %get3A_450 = arith.constant 0 : index
    %get3A_451 = tpu.vector_load %arg12[%get3A_449, %get3A_450] {strides = array<i32>} : memref<4x128xi32, #tpu.memory_space<vmem>>, vector<1x16xi32>,
    %get3A_452 = vector.shape_cast %get3A_451 : vector<1x16xi32> to vector<16xi32>
    %shift_right_logical3A_453 = arith.constant 2 : i32
    %shift_right_logical3A_454 = vector.broadcast %shift_right_logical3A_453 : i32 to vector<16xi32>
    %shift_right_logical3A_455 = arith.shrui %get3A_452, %shift_right_logical3A_454 : vector<16xi32>
    %swap3A_456 = arith.constant 2 : i32
    %swap3A_457 = arith.index_cast %swap3A_456 : i32 to index
    %swap3A_458 = arith.constant 0 : index
    %swap3A_459 = tpu.vector_load %arg14[%swap3A_457, %swap3A_458] {strides = array<i32>} : memref<4x128xi32, #tpu.memory_space<vmem>>, vector<1x16xi32>,
    %swap3A_460 = vector.shape_cast %swap3A_459 : vector<1x16xi32> to vector<16xi32>
    %swap3A_461 = vector.shape_cast %shift_right_logical3A_455 : vector<16xi32> to vector<1x16xi32>
    tpu.vector_store %arg14[%swap3A_457, %swap3A_458], %swap3A_461 {strides = array<i32>} : memref<4x128xi32, #tpu.memory_space<vmem>>, vector<1x16xi32>,
    %get3A_462 = arith.constant 2 : i32
    %get3A_463 = arith.index_cast %get3A_462 : i32 to index
    %get3A_464 = arith.constant 0 : index
    %get3A_465 = tpu.vector_load %arg13[%get3A_463, %get3A_464] {strides = array<i32>} : memref<4x128xi32, #tpu.memory_space<vmem>>, vector<1x16xi32>,
    %get3A_466 = vector.shape_cast %get3A_465 : vector<1x16xi32> to vector<16xi32>
    %shift_right_logical3A_467 = arith.constant 2 : i32
    %shift_right_logical3A_468 = vector.broadcast %shift_right_logical3A_467 : i32 to vector<16xi32>
    %shift_right_logical3A_469 = arith.shrui %get3A_466, %shift_right_logical3A_468 : vector<16xi32>
    %swap3A_470 = arith.constant 2 : i32
    %swap3A_471 = arith.index_cast %swap3A_470 : i32 to index
    %swap3A_472 = arith.constant 0 : index
    %swap3A_473 = tpu.vector_load %arg15[%swap3A_471, %swap3A_472] {strides = array<i32>} : memref<4x128xi32, #tpu.memory_space<vmem>>, vector<1x16xi32>,
    %swap3A_474 = vector.shape_cast %swap3A_473 : vector<1x16xi32> to vector<16xi32>
    %swap3A_475 = vector.shape_cast %shift_right_logical3A_469 : vector<16xi32> to vector<1x16xi32>
    tpu.vector_store %arg15[%swap3A_471, %swap3A_472], %swap3A_475 {strides = array<i32>} : memref<4x128xi32, #tpu.memory_space<vmem>>, vector<1x16xi32>,
    %get3A_476 = arith.constant 2 : i32
    %get3A_477 = arith.index_cast %get3A_476 : i32 to index
    %get3A_478 = arith.constant 16 : index
    %get3A_479 = tpu.vector_load %arg12[%get3A_477, %get3A_478] {strides = array<i32>} : memref<4x128xi32, #tpu.memory_space<vmem>>, vector<1x16xi32>,
    %get3A_480 = vector.shape_cast %get3A_479 : vector<1x16xi32> to vector<16xi32>
    %shift_right_logical3A_481 = arith.constant 2 : i32
    %shift_right_logical3A_482 = vector.broadcast %shift_right_logical3A_481 : i32 to vector<16xi32>
    %shift_right_logical3A_483 = arith.shrui %get3A_480, %shift_right_logical3A_482 : vector<16xi32>
    %swap3A_484 = arith.constant 2 : i32
    %swap3A_485 = arith.index_cast %swap3A_484 : i32 to index
    %swap3A_486 = arith.constant 16 : index
    %swap3A_487 = tpu.vector_load %arg14[%swap3A_485, %swap3A_486] {strides = array<i32>} : memref<4x128xi32, #tpu.memory_space<vmem>>, vector<1x16xi32>,
    %swap3A_488 = vector.shape_cast %swap3A_487 : vector<1x16xi32> to vector<16xi32>
    %swap3A_489 = vector.shape_cast %shift_right_logical3A_483 : vector<16xi32> to vector<1x16xi32>
    tpu.vector_store %arg14[%swap3A_485, %swap3A_486], %swap3A_489 {strides = array<i32>} : memref<4x128xi32, #tpu.memory_space<vmem>>, vector<1x16xi32>,
    %get3A_490 = arith.constant 2 : i32
    %get3A_491 = arith.index_cast %get3A_490 : i32 to index
    %get3A_492 = arith.constant 16 : index
    %get3A_493 = tpu.vector_load %arg13[%get3A_491, %get3A_492] {strides = array<i32>} : memref<4x128xi32, #tpu.memory_space<vmem>>, vector<1x16xi32>,
    %get3A_494 = vector.shape_cast %get3A_493 : vector<1x16xi32> to vector<16xi32>
    %shift_right_logical3A_495 = arith.constant 2 : i32
    %shift_right_logical3A_496 = vector.broadcast %shift_right_logical3A_495 : i32 to vector<16xi32>
    %shift_right_logical3A_497 = arith.shrui %get3A_494, %shift_right_logical3A_496 : vector<16xi32>
    %swap3A_498 = arith.constant 2 : i32
    %swap3A_499 = arith.index_cast %swap3A_498 : i32 to index
    %swap3A_500 = arith.constant 16 : index
    %swap3A_501 = tpu.vector_load %arg15[%swap3A_499, %swap3A_500] {strides = array<i32>} : memref<4x128xi32, #tpu.memory_space<vmem>>, vector<1x16xi32>,
    %swap3A_502 = vector.shape_cast %swap3A_501 : vector<1x16xi32> to vector<16xi32>
    %swap3A_503 = vector.shape_cast %shift_right_logical3A_497 : vector<16xi32> to vector<1x16xi32>
    tpu.vector_store %arg15[%swap3A_499, %swap3A_500], %swap3A_503 {strides = array<i32>} : memref<4x128xi32, #tpu.memory_space<vmem>>, vector<1x16xi32>,
    %get3A_504 = arith.constant 2 : i32
    %get3A_505 = arith.index_cast %get3A_504 : i32 to index
    %get3A_506 = arith.constant 32 : index
    %get3A_507 = tpu.vector_load %arg12[%get3A_505, %get3A_506] {strides = array<i32>} : memref<4x128xi32, #tpu.memory_space<vmem>>, vector<1x16xi32>,
    %get3A_508 = vector.shape_cast %get3A_507 : vector<1x16xi32> to vector<16xi32>
    %shift_right_logical3A_509 = arith.constant 2 : i32
    %shift_right_logical3A_510 = vector.broadcast %shift_right_logical3A_509 : i32 to vector<16xi32>
    %shift_right_logical3A_511 = arith.shrui %get3A_508, %shift_right_logical3A_510 : vector<16xi32>
    %swap3A_512 = arith.constant 2 : i32
    %swap3A_513 = arith.index_cast %swap3A_512 : i32 to index
    %swap3A_514 = arith.constant 32 : index
    %swap3A_515 = tpu.vector_load %arg14[%swap3A_513, %swap3A_514] {strides = array<i32>} : memref<4x128xi32, #tpu.memory_space<vmem>>, vector<1x16xi32>,
    %swap3A_516 = vector.shape_cast %swap3A_515 : vector<1x16xi32> to vector<16xi32>
    %swap3A_517 = vector.shape_cast %shift_right_logical3A_511 : vector<16xi32> to vector<1x16xi32>
    tpu.vector_store %arg14[%swap3A_513, %swap3A_514], %swap3A_517 {strides = array<i32>} : memref<4x128xi32, #tpu.memory_space<vmem>>, vector<1x16xi32>,
    %get3A_518 = arith.constant 2 : i32
    %get3A_519 = arith.index_cast %get3A_518 : i32 to index
    %get3A_520 = arith.constant 32 : index
    %get3A_521 = tpu.vector_load %arg13[%get3A_519, %get3A_520] {strides = array<i32>} : memref<4x128xi32, #tpu.memory_space<vmem>>, vector<1x16xi32>,
    %get3A_522 = vector.shape_cast %get3A_521 : vector<1x16xi32> to vector<16xi32>
    %shift_right_logical3A_523 = arith.constant 2 : i32
    %shift_right_logical3A_524 = vector.broadcast %shift_right_logical3A_523 : i32 to vector<16xi32>
    %shift_right_logical3A_525 = arith.shrui %get3A_522, %shift_right_logical3A_524 : vector<16xi32>
    %swap3A_526 = arith.constant 2 : i32
    %swap3A_527 = arith.index_cast %swap3A_526 : i32 to index
    %swap3A_528 = arith.constant 32 : index
    %swap3A_529 = tpu.vector_load %arg15[%swap3A_527, %swap3A_528] {strides = array<i32>} : memref<4x128xi32, #tpu.memory_space<vmem>>, vector<1x16xi32>,
    %swap3A_530 = vector.shape_cast %swap3A_529 : vector<1x16xi32> to vector<16xi32>
    %swap3A_531 = vector.shape_cast %shift_right_logical3A_525 : vector<16xi32> to vector<1x16xi32>
    tpu.vector_store %arg15[%swap3A_527, %swap3A_528], %swap3A_531 {strides = array<i32>} : memref<4x128xi32, #tpu.memory_space<vmem>>, vector<1x16xi32>,
    %get3A_532 = arith.constant 2 : i32
    %get3A_533 = arith.index_cast %get3A_532 : i32 to index
    %get3A_534 = arith.constant 48 : index
    %get3A_535 = tpu.vector_load %arg12[%get3A_533, %get3A_534] {strides = array<i32>} : memref<4x128xi32, #tpu.memory_space<vmem>>, vector<1x16xi32>,
    %get3A_536 = vector.shape_cast %get3A_535 : vector<1x16xi32> to vector<16xi32>
    %shift_right_logical3A_537 = arith.constant 2 : i32
    %shift_right_logical3A_538 = vector.broadcast %shift_right_logical3A_537 : i32 to vector<16xi32>
    %shift_right_logical3A_539 = arith.shrui %get3A_536, %shift_right_logical3A_538 : vector<16xi32>
    %swap3A_540 = arith.constant 2 : i32
    %swap3A_541 = arith.index_cast %swap3A_540 : i32 to index
    %swap3A_542 = arith.constant 48 : index
    %swap3A_543 = tpu.vector_load %arg14[%swap3A_541, %swap3A_542] {strides = array<i32>} : memref<4x128xi32, #tpu.memory_space<vmem>>, vector<1x16xi32>,
    %swap3A_544 = vector.shape_cast %swap3A_543 : vector<1x16xi32> to vector<16xi32>
    %swap3A_545 = vector.shape_cast %shift_right_logical3A_539 : vector<16xi32> to vector<1x16xi32>
    tpu.vector_store %arg14[%swap3A_541, %swap3A_542], %swap3A_545 {strides = array<i32>} : memref<4x128xi32, #tpu.memory_space<vmem>>, vector<1x16xi32>,
    %get3A_546 = arith.constant 2 : i32
    %get3A_547 = arith.index_cast %get3A_546 : i32 to index
    %get3A_548 = arith.constant 48 : index
    %get3A_549 = tpu.vector_load %arg13[%get3A_547, %get3A_548] {strides = array<i32>} : memref<4x128xi32, #tpu.memory_space<vmem>>, vector<1x16xi32>,
    %get3A_550 = vector.shape_cast %get3A_549 : vector<1x16xi32> to vector<16xi32>
    %shift_right_logical3A_551 = arith.constant 2 : i32
    %shift_right_logical3A_552 = vector.broadcast %shift_right_logical3A_551 : i32 to vector<16xi32>
    %shift_right_logical3A_553 = arith.shrui %get3A_550, %shift_right_logical3A_552 : vector<16xi32>
    %swap3A_554 = arith.constant 2 : i32
    %swap3A_555 = arith.index_cast %swap3A_554 : i32 to index
    %swap3A_556 = arith.constant 48 : index
    %swap3A_557 = tpu.vector_load %arg15[%swap3A_555, %swap3A_556] {strides = array<i32>} : memref<4x128xi32, #tpu.memory_space<vmem>>, vector<1x16xi32>,
    %swap3A_558 = vector.shape_cast %swap3A_557 : vector<1x16xi32> to vector<16xi32>
    %swap3A_559 = vector.shape_cast %shift_right_logical3A_553 : vector<16xi32> to vector<1x16xi32>
    tpu.vector_store %arg15[%swap3A_555, %swap3A_556], %swap3A_559 {strides = array<i32>} : memref<4x128xi32, #tpu.memory_space<vmem>>, vector<1x16xi32>,
    %get3A_560 = arith.constant 2 : i32
    %get3A_561 = arith.index_cast %get3A_560 : i32 to index
    %get3A_562 = arith.constant 64 : index
    %get3A_563 = tpu.vector_load %arg12[%get3A_561, %get3A_562] {strides = array<i32>} : memref<4x128xi32, #tpu.memory_space<vmem>>, vector<1x16xi32>,
    %get3A_564 = vector.shape_cast %get3A_563 : vector<1x16xi32> to vector<16xi32>
    %shift_right_logical3A_565 = arith.constant 2 : i32
    %shift_right_logical3A_566 = vector.broadcast %shift_right_logical3A_565 : i32 to vector<16xi32>
    %shift_right_logical3A_567 = arith.shrui %get3A_564, %shift_right_logical3A_566 : vector<16xi32>
    %swap3A_568 = arith.constant 2 : i32
    %swap3A_569 = arith.index_cast %swap3A_568 : i32 to index
    %swap3A_570 = arith.constant 64 : index
    %swap3A_571 = tpu.vector_load %arg14[%swap3A_569, %swap3A_570] {strides = array<i32>} : memref<4x128xi32, #tpu.memory_space<vmem>>, vector<1x16xi32>,
    %swap3A_572 = vector.shape_cast %swap3A_571 : vector<1x16xi32> to vector<16xi32>
    %swap3A_573 = vector.shape_cast %shift_right_logical3A_567 : vector<16xi32> to vector<1x16xi32>
    tpu.vector_store %arg14[%swap3A_569, %swap3A_570], %swap3A_573 {strides = array<i32>} : memref<4x128xi32, #tpu.memory_space<vmem>>, vector<1x16xi32>,
    %get3A_574 = arith.constant 2 : i32
    %get3A_575 = arith.index_cast %get3A_574 : i32 to index
    %get3A_576 = arith.constant 64 : index
    %get3A_577 = tpu.vector_load %arg13[%get3A_575, %get3A_576] {strides = array<i32>} : memref<4x128xi32, #tpu.memory_space<vmem>>, vector<1x16xi32>,
    %get3A_578 = vector.shape_cast %get3A_577 : vector<1x16xi32> to vector<16xi32>
    %shift_right_logical3A_579 = arith.constant 2 : i32
    %shift_right_logical3A_580 = vector.broadcast %shift_right_logical3A_579 : i32 to vector<16xi32>
    %shift_right_logical3A_581 = arith.shrui %get3A_578, %shift_right_logical3A_580 : vector<16xi32>
    %swap3A_582 = arith.constant 2 : i32
    %swap3A_583 = arith.index_cast %swap3A_582 : i32 to index
    %swap3A_584 = arith.constant 64 : index
    %swap3A_585 = tpu.vector_load %arg15[%swap3A_583, %swap3A_584] {strides = array<i32>} : memref<4x128xi32, #tpu.memory_space<vmem>>, vector<1x16xi32>,
    %swap3A_586 = vector.shape_cast %swap3A_585 : vector<1x16xi32> to vector<16xi32>
    %swap3A_587 = vector.shape_cast %shift_right_logical3A_581 : vector<16xi32> to vector<1x16xi32>
    tpu.vector_store %arg15[%swap3A_583, %swap3A_584], %swap3A_587 {strides = array<i32>} : memref<4x128xi32, #tpu.memory_space<vmem>>, vector<1x16xi32>,
    %get3A_588 = arith.constant 2 : i32
    %get3A_589 = arith.index_cast %get3A_588 : i32 to index
    %get3A_590 = arith.constant 80 : index
    %get3A_591 = tpu.vector_load %arg12[%get3A_589, %get3A_590] {strides = array<i32>} : memref<4x128xi32, #tpu.memory_space<vmem>>, vector<1x16xi32>,
    %get3A_592 = vector.shape_cast %get3A_591 : vector<1x16xi32> to vector<16xi32>
    %shift_right_logical3A_593 = arith.constant 2 : i32
    %shift_right_logical3A_594 = vector.broadcast %shift_right_logical3A_593 : i32 to vector<16xi32>
    %shift_right_logical3A_595 = arith.shrui %get3A_592, %shift_right_logical3A_594 : vector<16xi32>
    %swap3A_596 = arith.constant 2 : i32
    %swap3A_597 = arith.index_cast %swap3A_596 : i32 to index
    %swap3A_598 = arith.constant 80 : index
    %swap3A_599 = tpu.vector_load %arg14[%swap3A_597, %swap3A_598] {strides = array<i32>} : memref<4x128xi32, #tpu.memory_space<vmem>>, vector<1x16xi32>,
    %swap3A_600 = vector.shape_cast %swap3A_599 : vector<1x16xi32> to vector<16xi32>
    %swap3A_601 = vector.shape_cast %shift_right_logical3A_595 : vector<16xi32> to vector<1x16xi32>
    tpu.vector_store %arg14[%swap3A_597, %swap3A_598], %swap3A_601 {strides = array<i32>} : memref<4x128xi32, #tpu.memory_space<vmem>>, vector<1x16xi32>,
    %get3A_602 = arith.constant 2 : i32
    %get3A_603 = arith.index_cast %get3A_602 : i32 to index
    %get3A_604 = arith.constant 80 : index
    %get3A_605 = tpu.vector_load %arg13[%get3A_603, %get3A_604] {strides = array<i32>} : memref<4x128xi32, #tpu.memory_space<vmem>>, vector<1x16xi32>,
    %get3A_606 = vector.shape_cast %get3A_605 : vector<1x16xi32> to vector<16xi32>
    %shift_right_logical3A_607 = arith.constant 2 : i32
    %shift_right_logical3A_608 = vector.broadcast %shift_right_logical3A_607 : i32 to vector<16xi32>
    %shift_right_logical3A_609 = arith.shrui %get3A_606, %shift_right_logical3A_608 : vector<16xi32>
    %swap3A_610 = arith.constant 2 : i32
    %swap3A_611 = arith.index_cast %swap3A_610 : i32 to index
    %swap3A_612 = arith.constant 80 : index
    %swap3A_613 = tpu.vector_load %arg15[%swap3A_611, %swap3A_612] {strides = array<i32>} : memref<4x128xi32, #tpu.memory_space<vmem>>, vector<1x16xi32>,
    %swap3A_614 = vector.shape_cast %swap3A_613 : vector<1x16xi32> to vector<16xi32>
    %swap3A_615 = vector.shape_cast %shift_right_logical3A_609 : vector<16xi32> to vector<1x16xi32>
    tpu.vector_store %arg15[%swap3A_611, %swap3A_612], %swap3A_615 {strides = array<i32>} : memref<4x128xi32, #tpu.memory_space<vmem>>, vector<1x16xi32>,
    %get3A_616 = arith.constant 2 : i32
    %get3A_617 = arith.index_cast %get3A_616 : i32 to index
    %get3A_618 = arith.constant 96 : index
    %get3A_619 = tpu.vector_load %arg12[%get3A_617, %get3A_618] {strides = array<i32>} : memref<4x128xi32, #tpu.memory_space<vmem>>, vector<1x16xi32>,
    %get3A_620 = vector.shape_cast %get3A_619 : vector<1x16xi32> to vector<16xi32>
    %shift_right_logical3A_621 = arith.constant 2 : i32
    %shift_right_logical3A_622 = vector.broadcast %shift_right_logical3A_621 : i32 to vector<16xi32>
    %shift_right_logical3A_623 = arith.shrui %get3A_620, %shift_right_logical3A_622 : vector<16xi32>
    %swap3A_624 = arith.constant 2 : i32
    %swap3A_625 = arith.index_cast %swap3A_624 : i32 to index
    %swap3A_626 = arith.constant 96 : index
    %swap3A_627 = tpu.vector_load %arg14[%swap3A_625, %swap3A_626] {strides = array<i32>} : memref<4x128xi32, #tpu.memory_space<vmem>>, vector<1x16xi32>,
    %swap3A_628 = vector.shape_cast %swap3A_627 : vector<1x16xi32> to vector<16xi32>
    %swap3A_629 = vector.shape_cast %shift_right_logical3A_623 : vector<16xi32> to vector<1x16xi32>
    tpu.vector_store %arg14[%swap3A_625, %swap3A_626], %swap3A_629 {strides = array<i32>} : memref<4x128xi32, #tpu.memory_space<vmem>>, vector<1x16xi32>,
    %get3A_630 = arith.constant 2 : i32
    %get3A_631 = arith.index_cast %get3A_630 : i32 to index
    %get3A_632 = arith.constant 96 : index
    %get3A_633 = tpu.vector_load %arg13[%get3A_631, %get3A_632] {strides = array<i32>} : memref<4x128xi32, #tpu.memory_space<vmem>>, vector<1x16xi32>,
    %get3A_634 = vector.shape_cast %get3A_633 : vector<1x16xi32> to vector<16xi32>
    %shift_right_logical3A_635 = arith.constant 2 : i32
    %shift_right_logical3A_636 = vector.broadcast %shift_right_logical3A_635 : i32 to vector<16xi32>
    %shift_right_logical3A_637 = arith.shrui %get3A_634, %shift_right_logical3A_636 : vector<16xi32>
    %swap3A_638 = arith.constant 2 : i32
    %swap3A_639 = arith.index_cast %swap3A_638 : i32 to index
    %swap3A_640 = arith.constant 96 : index
    %swap3A_641 = tpu.vector_load %arg15[%swap3A_639, %swap3A_640] {strides = array<i32>} : memref<4x128xi32, #tpu.memory_space<vmem>>, vector<1x16xi32>,
    %swap3A_642 = vector.shape_cast %swap3A_641 : vector<1x16xi32> to vector<16xi32>
    %swap3A_643 = vector.shape_cast %shift_right_logical3A_637 : vector<16xi32> to vector<1x16xi32>
    tpu.vector_store %arg15[%swap3A_639, %swap3A_640], %swap3A_643 {strides = array<i32>} : memref<4x128xi32, #tpu.memory_space<vmem>>, vector<1x16xi32>,
    %get3A_644 = arith.constant 2 : i32
    %get3A_645 = arith.index_cast %get3A_644 : i32 to index
    %get3A_646 = arith.constant 112 : index
    %get3A_647 = tpu.vector_load %arg12[%get3A_645, %get3A_646] {strides = array<i32>} : memref<4x128xi32, #tpu.memory_space<vmem>>, vector<1x16xi32>,
    %get3A_648 = vector.shape_cast %get3A_647 : vector<1x16xi32> to vector<16xi32>
    %shift_right_logical3A_649 = arith.constant 2 : i32
    %shift_right_logical3A_650 = vector.broadcast %shift_right_logical3A_649 : i32 to vector<16xi32>
    %shift_right_logical3A_651 = arith.shrui %get3A_648, %shift_right_logical3A_650 : vector<16xi32>
    %swap3A_652 = arith.constant 2 : i32
    %swap3A_653 = arith.index_cast %swap3A_652 : i32 to index
    %swap3A_654 = arith.constant 112 : index
    %swap3A_655 = tpu.vector_load %arg14[%swap3A_653, %swap3A_654] {strides = array<i32>} : memref<4x128xi32, #tpu.memory_space<vmem>>, vector<1x16xi32>,
    %swap3A_656 = vector.shape_cast %swap3A_655 : vector<1x16xi32> to vector<16xi32>
    %swap3A_657 = vector.shape_cast %shift_right_logical3A_651 : vector<16xi32> to vector<1x16xi32>
    tpu.vector_store %arg14[%swap3A_653, %swap3A_654], %swap3A_657 {strides = array<i32>} : memref<4x128xi32, #tpu.memory_space<vmem>>, vector<1x16xi32>,
    %get3A_658 = arith.constant 2 : i32
    %get3A_659 = arith.index_cast %get3A_658 : i32 to index
    %get3A_660 = arith.constant 112 : index
    %get3A_661 = tpu.vector_load %arg13[%get3A_659, %get3A_660] {strides = array<i32>} : memref<4x128xi32, #tpu.memory_space<vmem>>, vector<1x16xi32>,
    %get3A_662 = vector.shape_cast %get3A_661 : vector<1x16xi32> to vector<16xi32>
    %shift_right_logical3A_663 = arith.constant 2 : i32
    %shift_right_logical3A_664 = vector.broadcast %shift_right_logical3A_663 : i32 to vector<16xi32>
    %shift_right_logical3A_665 = arith.shrui %get3A_662, %shift_right_logical3A_664 : vector<16xi32>
    %swap3A_666 = arith.constant 2 : i32
    %swap3A_667 = arith.index_cast %swap3A_666 : i32 to index
    %swap3A_668 = arith.constant 112 : index
    %swap3A_669 = tpu.vector_load %arg15[%swap3A_667, %swap3A_668] {strides = array<i32>} : memref<4x128xi32, #tpu.memory_space<vmem>>, vector<1x16xi32>,
    %swap3A_670 = vector.shape_cast %swap3A_669 : vector<1x16xi32> to vector<16xi32>
    %swap3A_671 = vector.shape_cast %shift_right_logical3A_665 : vector<16xi32> to vector<1x16xi32>
    tpu.vector_store %arg15[%swap3A_667, %swap3A_668], %swap3A_671 {strides = array<i32>} : memref<4x128xi32, #tpu.memory_space<vmem>>, vector<1x16xi32>,
    %get3A_672 = arith.constant 3 : i32
    %get3A_673 = arith.index_cast %get3A_672 : i32 to index
    %get3A_674 = arith.constant 0 : index
    %get3A_675 = tpu.vector_load %arg12[%get3A_673, %get3A_674] {strides = array<i32>} : memref<4x128xi32, #tpu.memory_space<vmem>>, vector<1x16xi32>,
    %get3A_676 = vector.shape_cast %get3A_675 : vector<1x16xi32> to vector<16xi32>
    %shift_right_logical3A_677 = arith.constant 2 : i32
    %shift_right_logical3A_678 = vector.broadcast %shift_right_logical3A_677 : i32 to vector<16xi32>
    %shift_right_logical3A_679 = arith.shrui %get3A_676, %shift_right_logical3A_678 : vector<16xi32>
    %swap3A_680 = arith.constant 3 : i32
    %swap3A_681 = arith.index_cast %swap3A_680 : i32 to index
    %swap3A_682 = arith.constant 0 : index
    %swap3A_683 = tpu.vector_load %arg14[%swap3A_681, %swap3A_682] {strides = array<i32>} : memref<4x128xi32, #tpu.memory_space<vmem>>, vector<1x16xi32>,
    %swap3A_684 = vector.shape_cast %swap3A_683 : vector<1x16xi32> to vector<16xi32>
    %swap3A_685 = vector.shape_cast %shift_right_logical3A_679 : vector<16xi32> to vector<1x16xi32>
    tpu.vector_store %arg14[%swap3A_681, %swap3A_682], %swap3A_685 {strides = array<i32>} : memref<4x128xi32, #tpu.memory_space<vmem>>, vector<1x16xi32>,
    %get3A_686 = arith.constant 3 : i32
    %get3A_687 = arith.index_cast %get3A_686 : i32 to index
    %get3A_688 = arith.constant 0 : index
    %get3A_689 = tpu.vector_load %arg13[%get3A_687, %get3A_688] {strides = array<i32>} : memref<4x128xi32, #tpu.memory_space<vmem>>, vector<1x16xi32>,
    %get3A_690 = vector.shape_cast %get3A_689 : vector<1x16xi32> to vector<16xi32>
    %shift_right_logical3A_691 = arith.constant 2 : i32
    %shift_right_logical3A_692 = vector.broadcast %shift_right_logical3A_691 : i32 to vector<16xi32>
    %shift_right_logical3A_693 = arith.shrui %get3A_690, %shift_right_logical3A_692 : vector<16xi32>
    %swap3A_694 = arith.constant 3 : i32
    %swap3A_695 = arith.index_cast %swap3A_694 : i32 to index
    %swap3A_696 = arith.constant 0 : index
    %swap3A_697 = tpu.vector_load %arg15[%swap3A_695, %swap3A_696] {strides = array<i32>} : memref<4x128xi32, #tpu.memory_space<vmem>>, vector<1x16xi32>,
    %swap3A_698 = vector.shape_cast %swap3A_697 : vector<1x16xi32> to vector<16xi32>
    %swap3A_699 = vector.shape_cast %shift_right_logical3A_693 : vector<16xi32> to vector<1x16xi32>
    tpu.vector_store %arg15[%swap3A_695, %swap3A_696], %swap3A_699 {strides = array<i32>} : memref<4x128xi32, #tpu.memory_space<vmem>>, vector<1x16xi32>,
    %get3A_700 = arith.constant 3 : i32
    %get3A_701 = arith.index_cast %get3A_700 : i32 to index
    %get3A_702 = arith.constant 16 : index
    %get3A_703 = tpu.vector_load %arg12[%get3A_701, %get3A_702] {strides = array<i32>} : memref<4x128xi32, #tpu.memory_space<vmem>>, vector<1x16xi32>,
    %get3A_704 = vector.shape_cast %get3A_703 : vector<1x16xi32> to vector<16xi32>
    %shift_right_logical3A_705 = arith.constant 2 : i32
    %shift_right_logical3A_706 = vector.broadcast %shift_right_logical3A_705 : i32 to vector<16xi32>
    %shift_right_logical3A_707 = arith.shrui %get3A_704, %shift_right_logical3A_706 : vector<16xi32>
    %swap3A_708 = arith.constant 3 : i32
    %swap3A_709 = arith.index_cast %swap3A_708 : i32 to index
    %swap3A_710 = arith.constant 16 : index
    %swap3A_711 = tpu.vector_load %arg14[%swap3A_709, %swap3A_710] {strides = array<i32>} : memref<4x128xi32, #tpu.memory_space<vmem>>, vector<1x16xi32>,
    %swap3A_712 = vector.shape_cast %swap3A_711 : vector<1x16xi32> to vector<16xi32>
    %swap3A_713 = vector.shape_cast %shift_right_logical3A_707 : vector<16xi32> to vector<1x16xi32>
    tpu.vector_store %arg14[%swap3A_709, %swap3A_710], %swap3A_713 {strides = array<i32>} : memref<4x128xi32, #tpu.memory_space<vmem>>, vector<1x16xi32>,
    %get3A_714 = arith.constant 3 : i32
    %get3A_715 = arith.index_cast %get3A_714 : i32 to index
    %get3A_716 = arith.constant 16 : index
    %get3A_717 = tpu.vector_load %arg13[%get3A_715, %get3A_716] {strides = array<i32>} : memref<4x128xi32, #tpu.memory_space<vmem>>, vector<1x16xi32>,
    %get3A_718 = vector.shape_cast %get3A_717 : vector<1x16xi32> to vector<16xi32>
    %shift_right_logical3A_719 = arith.constant 2 : i32
    %shift_right_logical3A_720 = vector.broadcast %shift_right_logical3A_719 : i32 to vector<16xi32>
    %shift_right_logical3A_721 = arith.shrui %get3A_718, %shift_right_logical3A_720 : vector<16xi32>
    %swap3A_722 = arith.constant 3 : i32
    %swap3A_723 = arith.index_cast %swap3A_722 : i32 to index
    %swap3A_724 = arith.constant 16 : index
    %swap3A_725 = tpu.vector_load %arg15[%swap3A_723, %swap3A_724] {strides = array<i32>} : memref<4x128xi32, #tpu.memory_space<vmem>>, vector<1x16xi32>,
    %swap3A_726 = vector.shape_cast %swap3A_725 : vector<1x16xi32> to vector<16xi32>
    %swap3A_727 = vector.shape_cast %shift_right_logical3A_721 : vector<16xi32> to vector<1x16xi32>
    tpu.vector_store %arg15[%swap3A_723, %swap3A_724], %swap3A_727 {strides = array<i32>} : memref<4x128xi32, #tpu.memory_space<vmem>>, vector<1x16xi32>,
    %get3A_728 = arith.constant 3 : i32
    %get3A_729 = arith.index_cast %get3A_728 : i32 to index
    %get3A_730 = arith.constant 32 : index
    %get3A_731 = tpu.vector_load %arg12[%get3A_729, %get3A_730] {strides = array<i32>} : memref<4x128xi32, #tpu.memory_space<vmem>>, vector<1x16xi32>,
    %get3A_732 = vector.shape_cast %get3A_731 : vector<1x16xi32> to vector<16xi32>
    %shift_right_logical3A_733 = arith.constant 2 : i32
    %shift_right_logical3A_734 = vector.broadcast %shift_right_logical3A_733 : i32 to vector<16xi32>
    %shift_right_logical3A_735 = arith.shrui %get3A_732, %shift_right_logical3A_734 : vector<16xi32>
    %swap3A_736 = arith.constant 3 : i32
    %swap3A_737 = arith.index_cast %swap3A_736 : i32 to index
    %swap3A_738 = arith.constant 32 : index
    %swap3A_739 = tpu.vector_load %arg14[%swap3A_737, %swap3A_738] {strides = array<i32>} : memref<4x128xi32, #tpu.memory_space<vmem>>, vector<1x16xi32>,
    %swap3A_740 = vector.shape_cast %swap3A_739 : vector<1x16xi32> to vector<16xi32>
    %swap3A_741 = vector.shape_cast %shift_right_logical3A_735 : vector<16xi32> to vector<1x16xi32>
    tpu.vector_store %arg14[%swap3A_737, %swap3A_738], %swap3A_741 {strides = array<i32>} : memref<4x128xi32, #tpu.memory_space<vmem>>, vector<1x16xi32>,
    %get3A_742 = arith.constant 3 : i32
    %get3A_743 = arith.index_cast %get3A_742 : i32 to index
    %get3A_744 = arith.constant 32 : index
    %get3A_745 = tpu.vector_load %arg13[%get3A_743, %get3A_744] {strides = array<i32>} : memref<4x128xi32, #tpu.memory_space<vmem>>, vector<1x16xi32>,
    %get3A_746 = vector.shape_cast %get3A_745 : vector<1x16xi32> to vector<16xi32>
    %shift_right_logical3A_747 = arith.constant 2 : i32
    %shift_right_logical3A_748 = vector.broadcast %shift_right_logical3A_747 : i32 to vector<16xi32>
    %shift_right_logical3A_749 = arith.shrui %get3A_746, %shift_right_logical3A_748 : vector<16xi32>
    %swap3A_750 = arith.constant 3 : i32
    %swap3A_751 = arith.index_cast %swap3A_750 : i32 to index
    %swap3A_752 = arith.constant 32 : index
    %swap3A_753 = tpu.vector_load %arg15[%swap3A_751, %swap3A_752] {strides = array<i32>} : memref<4x128xi32, #tpu.memory_space<vmem>>, vector<1x16xi32>,
    %swap3A_754 = vector.shape_cast %swap3A_753 : vector<1x16xi32> to vector<16xi32>
    %swap3A_755 = vector.shape_cast %shift_right_logical3A_749 : vector<16xi32> to vector<1x16xi32>
    tpu.vector_store %arg15[%swap3A_751, %swap3A_752], %swap3A_755 {strides = array<i32>} : memref<4x128xi32, #tpu.memory_space<vmem>>, vector<1x16xi32>,
    %get3A_756 = arith.constant 3 : i32
    %get3A_757 = arith.index_cast %get3A_756 : i32 to index
    %get3A_758 = arith.constant 48 : index
    %get3A_759 = tpu.vector_load %arg12[%get3A_757, %get3A_758] {strides = array<i32>} : memref<4x128xi32, #tpu.memory_space<vmem>>, vector<1x16xi32>,
    %get3A_760 = vector.shape_cast %get3A_759 : vector<1x16xi32> to vector<16xi32>
    %shift_right_logical3A_761 = arith.constant 2 : i32
    %shift_right_logical3A_762 = vector.broadcast %shift_right_logical3A_761 : i32 to vector<16xi32>
    %shift_right_logical3A_763 = arith.shrui %get3A_760, %shift_right_logical3A_762 : vector<16xi32>
    %swap3A_764 = arith.constant 3 : i32
    %swap3A_765 = arith.index_cast %swap3A_764 : i32 to index
    %swap3A_766 = arith.constant 48 : index
    %swap3A_767 = tpu.vector_load %arg14[%swap3A_765, %swap3A_766] {strides = array<i32>} : memref<4x128xi32, #tpu.memory_space<vmem>>, vector<1x16xi32>,
    %swap3A_768 = vector.shape_cast %swap3A_767 : vector<1x16xi32> to vector<16xi32>
    %swap3A_769 = vector.shape_cast %shift_right_logical3A_763 : vector<16xi32> to vector<1x16xi32>
    tpu.vector_store %arg14[%swap3A_765, %swap3A_766], %swap3A_769 {strides = array<i32>} : memref<4x128xi32, #tpu.memory_space<vmem>>, vector<1x16xi32>,
    %get3A_770 = arith.constant 3 : i32
    %get3A_771 = arith.index_cast %get3A_770 : i32 to index
    %get3A_772 = arith.constant 48 : index
    %get3A_773 = tpu.vector_load %arg13[%get3A_771, %get3A_772] {strides = array<i32>} : memref<4x128xi32, #tpu.memory_space<vmem>>, vector<1x16xi32>,
    %get3A_774 = vector.shape_cast %get3A_773 : vector<1x16xi32> to vector<16xi32>
    %shift_right_logical3A_775 = arith.constant 2 : i32
    %shift_right_logical3A_776 = vector.broadcast %shift_right_logical3A_775 : i32 to vector<16xi32>
    %shift_right_logical3A_777 = arith.shrui %get3A_774, %shift_right_logical3A_776 : vector<16xi32>
    %swap3A_778 = arith.constant 3 : i32
    %swap3A_779 = arith.index_cast %swap3A_778 : i32 to index
    %swap3A_780 = arith.constant 48 : index
    %swap3A_781 = tpu.vector_load %arg15[%swap3A_779, %swap3A_780] {strides = array<i32>} : memref<4x128xi32, #tpu.memory_space<vmem>>, vector<1x16xi32>,
    %swap3A_782 = vector.shape_cast %swap3A_781 : vector<1x16xi32> to vector<16xi32>
    %swap3A_783 = vector.shape_cast %shift_right_logical3A_777 : vector<16xi32> to vector<1x16xi32>
    tpu.vector_store %arg15[%swap3A_779, %swap3A_780], %swap3A_783 {strides = array<i32>} : memref<4x128xi32, #tpu.memory_space<vmem>>, vector<1x16xi32>,
    %get3A_784 = arith.constant 3 : i32
    %get3A_785 = arith.index_cast %get3A_784 : i32 to index
    %get3A_786 = arith.constant 64 : index
    %get3A_787 = tpu.vector_load %arg12[%get3A_785, %get3A_786] {strides = array<i32>} : memref<4x128xi32, #tpu.memory_space<vmem>>, vector<1x16xi32>,
    %get3A_788 = vector.shape_cast %get3A_787 : vector<1x16xi32> to vector<16xi32>
    %shift_right_logical3A_789 = arith.constant 2 : i32
    %shift_right_logical3A_790 = vector.broadcast %shift_right_logical3A_789 : i32 to vector<16xi32>
    %shift_right_logical3A_791 = arith.shrui %get3A_788, %shift_right_logical3A_790 : vector<16xi32>
    %swap3A_792 = arith.constant 3 : i32
    %swap3A_793 = arith.index_cast %swap3A_792 : i32 to index
    %swap3A_794 = arith.constant 64 : index
    %swap3A_795 = tpu.vector_load %arg14[%swap3A_793, %swap3A_794] {strides = array<i32>} : memref<4x128xi32, #tpu.memory_space<vmem>>, vector<1x16xi32>,
    %swap3A_796 = vector.shape_cast %swap3A_795 : vector<1x16xi32> to vector<16xi32>
    %swap3A_797 = vector.shape_cast %shift_right_logical3A_791 : vector<16xi32> to vector<1x16xi32>
    tpu.vector_store %arg14[%swap3A_793, %swap3A_794], %swap3A_797 {strides = array<i32>} : memref<4x128xi32, #tpu.memory_space<vmem>>, vector<1x16xi32>,
    %get3A_798 = arith.constant 3 : i32
    %get3A_799 = arith.index_cast %get3A_798 : i32 to index
    %get3A_800 = arith.constant 64 : index
    %get3A_801 = tpu.vector_load %arg13[%get3A_799, %get3A_800] {strides = array<i32>} : memref<4x128xi32, #tpu.memory_space<vmem>>, vector<1x16xi32>,
    %get3A_802 = vector.shape_cast %get3A_801 : vector<1x16xi32> to vector<16xi32>
    %shift_right_logical3A_803 = arith.constant 2 : i32
    %shift_right_logical3A_804 = vector.broadcast %shift_right_logical3A_803 : i32 to vector<16xi32>
    %shift_right_logical3A_805 = arith.shrui %get3A_802, %shift_right_logical3A_804 : vector<16xi32>
    %swap3A_806 = arith.constant 3 : i32
    %swap3A_807 = arith.index_cast %swap3A_806 : i32 to index
    %swap3A_808 = arith.constant 64 : index
    %swap3A_809 = tpu.vector_load %arg15[%swap3A_807, %swap3A_808] {strides = array<i32>} : memref<4x128xi32, #tpu.memory_space<vmem>>, vector<1x16xi32>,
    %swap3A_810 = vector.shape_cast %swap3A_809 : vector<1x16xi32> to vector<16xi32>
    %swap3A_811 = vector.shape_cast %shift_right_logical3A_805 : vector<16xi32> to vector<1x16xi32>
    tpu.vector_store %arg15[%swap3A_807, %swap3A_808], %swap3A_811 {strides = array<i32>} : memref<4x128xi32, #tpu.memory_space<vmem>>, vector<1x16xi32>,
    %get3A_812 = arith.constant 3 : i32
    %get3A_813 = arith.index_cast %get3A_812 : i32 to index
    %get3A_814 = arith.constant 80 : index
    %get3A_815 = tpu.vector_load %arg12[%get3A_813, %get3A_814] {strides = array<i32>} : memref<4x128xi32, #tpu.memory_space<vmem>>, vector<1x16xi32>,
    %get3A_816 = vector.shape_cast %get3A_815 : vector<1x16xi32> to vector<16xi32>
    %shift_right_logical3A_817 = arith.constant 2 : i32
    %shift_right_logical3A_818 = vector.broadcast %shift_right_logical3A_817 : i32 to vector<16xi32>
    %shift_right_logical3A_819 = arith.shrui %get3A_816, %shift_right_logical3A_818 : vector<16xi32>
    %swap3A_820 = arith.constant 3 : i32
    %swap3A_821 = arith.index_cast %swap3A_820 : i32 to index
    %swap3A_822 = arith.constant 80 : index
    %swap3A_823 = tpu.vector_load %arg14[%swap3A_821, %swap3A_822] {strides = array<i32>} : memref<4x128xi32, #tpu.memory_space<vmem>>, vector<1x16xi32>,
    %swap3A_824 = vector.shape_cast %swap3A_823 : vector<1x16xi32> to vector<16xi32>
    %swap3A_825 = vector.shape_cast %shift_right_logical3A_819 : vector<16xi32> to vector<1x16xi32>
    tpu.vector_store %arg14[%swap3A_821, %swap3A_822], %swap3A_825 {strides = array<i32>} : memref<4x128xi32, #tpu.memory_space<vmem>>, vector<1x16xi32>,
    %get3A_826 = arith.constant 3 : i32
    %get3A_827 = arith.index_cast %get3A_826 : i32 to index
    %get3A_828 = arith.constant 80 : index
    %get3A_829 = tpu.vector_load %arg13[%get3A_827, %get3A_828] {strides = array<i32>} : memref<4x128xi32, #tpu.memory_space<vmem>>, vector<1x16xi32>,
    %get3A_830 = vector.shape_cast %get3A_829 : vector<1x16xi32> to vector<16xi32>
    %shift_right_logical3A_831 = arith.constant 2 : i32
    %shift_right_logical3A_832 = vector.broadcast %shift_right_logical3A_831 : i32 to vector<16xi32>
    %shift_right_logical3A_833 = arith.shrui %get3A_830, %shift_right_logical3A_832 : vector<16xi32>
    %swap3A_834 = arith.constant 3 : i32
    %swap3A_835 = arith.index_cast %swap3A_834 : i32 to index
    %swap3A_836 = arith.constant 80 : index
    %swap3A_837 = tpu.vector_load %arg15[%swap3A_835, %swap3A_836] {strides = array<i32>} : memref<4x128xi32, #tpu.memory_space<vmem>>, vector<1x16xi32>,
    %swap3A_838 = vector.shape_cast %swap3A_837 : vector<1x16xi32> to vector<16xi32>
    %swap3A_839 = vector.shape_cast %shift_right_logical3A_833 : vector<16xi32> to vector<1x16xi32>
    tpu.vector_store %arg15[%swap3A_835, %swap3A_836], %swap3A_839 {strides = array<i32>} : memref<4x128xi32, #tpu.memory_space<vmem>>, vector<1x16xi32>,
    %get3A_840 = arith.constant 3 : i32
    %get3A_841 = arith.index_cast %get3A_840 : i32 to index
    %get3A_842 = arith.constant 96 : index
    %get3A_843 = tpu.vector_load %arg12[%get3A_841, %get3A_842] {strides = array<i32>} : memref<4x128xi32, #tpu.memory_space<vmem>>, vector<1x16xi32>,
    %get3A_844 = vector.shape_cast %get3A_843 : vector<1x16xi32> to vector<16xi32>
    %shift_right_logical3A_845 = arith.constant 2 : i32
    %shift_right_logical3A_846 = vector.broadcast %shift_right_logical3A_845 : i32 to vector<16xi32>
    %shift_right_logical3A_847 = arith.shrui %get3A_844, %shift_right_logical3A_846 : vector<16xi32>
    %swap3A_848 = arith.constant 3 : i32
    %swap3A_849 = arith.index_cast %swap3A_848 : i32 to index
    %swap3A_850 = arith.constant 96 : index
    %swap3A_851 = tpu.vector_load %arg14[%swap3A_849, %swap3A_850] {strides = array<i32>} : memref<4x128xi32, #tpu.memory_space<vmem>>, vector<1x16xi32>,
    %swap3A_852 = vector.shape_cast %swap3A_851 : vector<1x16xi32> to vector<16xi32>
    %swap3A_853 = vector.shape_cast %shift_right_logical3A_847 : vector<16xi32> to vector<1x16xi32>
    tpu.vector_store %arg14[%swap3A_849, %swap3A_850], %swap3A_853 {strides = array<i32>} : memref<4x128xi32, #tpu.memory_space<vmem>>, vector<1x16xi32>,
    %get3A_854 = arith.constant 3 : i32
    %get3A_855 = arith.index_cast %get3A_854 : i32 to index
    %get3A_856 = arith.constant 96 : index
    %get3A_857 = tpu.vector_load %arg13[%get3A_855, %get3A_856] {strides = array<i32>} : memref<4x128xi32, #tpu.memory_space<vmem>>, vector<1x16xi32>,
    %get3A_858 = vector.shape_cast %get3A_857 : vector<1x16xi32> to vector<16xi32>
    %shift_right_logical3A_859 = arith.constant 2 : i32
    %shift_right_logical3A_860 = vector.broadcast %shift_right_logical3A_859 : i32 to vector<16xi32>
    %shift_right_logical3A_861 = arith.shrui %get3A_858, %shift_right_logical3A_860 : vector<16xi32>
    %swap3A_862 = arith.constant 3 : i32
    %swap3A_863 = arith.index_cast %swap3A_862 : i32 to index
    %swap3A_864 = arith.constant 96 : index
    %swap3A_865 = tpu.vector_load %arg15[%swap3A_863, %swap3A_864] {strides = array<i32>} : memref<4x128xi32, #tpu.memory_space<vmem>>, vector<1x16xi32>,
    %swap3A_866 = vector.shape_cast %swap3A_865 : vector<1x16xi32> to vector<16xi32>
    %swap3A_867 = vector.shape_cast %shift_right_logical3A_861 : vector<16xi32> to vector<1x16xi32>
    tpu.vector_store %arg15[%swap3A_863, %swap3A_864], %swap3A_867 {strides = array<i32>} : memref<4x128xi32, #tpu.memory_space<vmem>>, vector<1x16xi32>,
    %get3A_868 = arith.constant 3 : i32
    %get3A_869 = arith.index_cast %get3A_868 : i32 to index
    %get3A_870 = arith.constant 112 : index
    %get3A_871 = tpu.vector_load %arg12[%get3A_869, %get3A_870] {strides = array<i32>} : memref<4x128xi32, #tpu.memory_space<vmem>>, vector<1x16xi32>,
    %get3A_872 = vector.shape_cast %get3A_871 : vector<1x16xi32> to vector<16xi32>
    %shift_right_logical3A_873 = arith.constant 2 : i32
    %shift_right_logical3A_874 = vector.broadcast %shift_right_logical3A_873 : i32 to vector<16xi32>
    %shift_right_logical3A_875 = arith.shrui %get3A_872, %shift_right_logical3A_874 : vector<16xi32>
    %swap3A_876 = arith.constant 3 : i32
    %swap3A_877 = arith.index_cast %swap3A_876 : i32 to index
    %swap3A_878 = arith.constant 112 : index
    %swap3A_879 = tpu.vector_load %arg14[%swap3A_877, %swap3A_878] {strides = array<i32>} : memref<4x128xi32, #tpu.memory_space<vmem>>, vector<1x16xi32>,
    %swap3A_880 = vector.shape_cast %swap3A_879 : vector<1x16xi32> to vector<16xi32>
    %swap3A_881 = vector.shape_cast %shift_right_logical3A_875 : vector<16xi32> to vector<1x16xi32>
    tpu.vector_store %arg14[%swap3A_877, %swap3A_878], %swap3A_881 {strides = array<i32>} : memref<4x128xi32, #tpu.memory_space<vmem>>, vector<1x16xi32>,
    %get3A_882 = arith.constant 3 : i32
    %get3A_883 = arith.index_cast %get3A_882 : i32 to index
    %get3A_884 = arith.constant 112 : index
    %get3A_885 = tpu.vector_load %arg13[%get3A_883, %get3A_884] {strides = array<i32>} : memref<4x128xi32, #tpu.memory_space<vmem>>, vector<1x16xi32>,
    %get3A_886 = vector.shape_cast %get3A_885 : vector<1x16xi32> to vector<16xi32>
    %shift_right_logical3A_887 = arith.constant 2 : i32
    %shift_right_logical3A_888 = vector.broadcast %shift_right_logical3A_887 : i32 to vector<16xi32>
    %shift_right_logical3A_889 = arith.shrui %get3A_886, %shift_right_logical3A_888 : vector<16xi32>
    %swap3A_890 = arith.constant 3 : i32
    %swap3A_891 = arith.index_cast %swap3A_890 : i32 to index
    %swap3A_892 = arith.constant 112 : index
    %swap3A_893 = tpu.vector_load %arg15[%swap3A_891, %swap3A_892] {strides = array<i32>} : memref<4x128xi32, #tpu.memory_space<vmem>>, vector<1x16xi32>,
    %swap3A_894 = vector.shape_cast %swap3A_893 : vector<1x16xi32> to vector<16xi32>
    %swap3A_895 = vector.shape_cast %shift_right_logical3A_889 : vector<16xi32> to vector<1x16xi32>
    tpu.vector_store %arg15[%swap3A_891, %swap3A_892], %swap3A_895 {strides = array<i32>} : memref<4x128xi32, #tpu.memory_space<vmem>>, vector<1x16xi32>,
    %dma_start3A = arith.constant 0 : i32
    %dma_start3A_896 = arith.constant 0 : i32
    %dma_start3A_897 = tpu.memref_slice %arg18[%dma_start3A_896] : memref<512xf32, #tpu.memory_space<vmem>> -> memref<128xf32, #tpu.memory_space<vmem>>
    %dma_start3A_898 = arith.constant 0 : i32
    %dma_start3A_899 = tpu.memref_slice %arg12[%dma_start3A, %dma_start3A_898] : memref<4x128xi32, #tpu.memory_space<vmem>> -> memref<1x128xi32, #tpu.memory_space<vmem>>
    %dma_start3A_900 = tpu.memref_squeeze %dma_start3A_899 : memref<1x128xi32, #tpu.memory_space<vmem>> -> memref<128xi32, #tpu.memory_space<vmem>>
    %dma_start3A_901 = arith.constant 0 : i32
    %dma_start3A_902 = tpu.memref_slice %arg6[%dma_start3A_901] : memref<1000000xf32, #tpu.memory_space<hbm>> -> memref<1000000xf32, #tpu.memory_space<hbm>>
    tpu.enqueue_indirect_dma source(%dma_start3A_902 : memref<1000000xf32, #tpu.memory_space<hbm>>) target(%dma_start3A_897 : memref<128xf32, #tpu.memory_space<vmem>>) offsets(%dma_start3A_900 : memref<128xi32, #tpu.memory_space<vmem>>) semaphore(%arg20 : memref<!tpu.dma_semaphore, #tpu.memory_space<semaphore_mem>>)
    %dma_start3A_903 = arith.constant 0 : i32
    %dma_start3A_904 = arith.constant 0 : i32
    %dma_start3A_905 = tpu.memref_slice %arg19[%dma_start3A_904] : memref<512xf32, #tpu.memory_space<vmem>> -> memref<128xf32, #tpu.memory_space<vmem>>
    %dma_start3A_906 = arith.constant 0 : i32
    %dma_start3A_907 = tpu.memref_slice %arg13[%dma_start3A_903, %dma_start3A_906] : memref<4x128xi32, #tpu.memory_space<vmem>> -> memref<1x128xi32, #tpu.memory_space<vmem>>
    %dma_start3A_908 = tpu.memref_squeeze %dma_start3A_907 : memref<1x128xi32, #tpu.memory_space<vmem>> -> memref<128xi32, #tpu.memory_space<vmem>>
    %dma_start3A_909 = arith.constant 0 : i32
    %dma_start3A_910 = tpu.memref_slice %arg7[%dma_start3A_909] : memref<1000000xf32, #tpu.memory_space<hbm>> -> memref<1000000xf32, #tpu.memory_space<hbm>>
    tpu.enqueue_indirect_dma source(%dma_start3A_910 : memref<1000000xf32, #tpu.memory_space<hbm>>) target(%dma_start3A_905 : memref<128xf32, #tpu.memory_space<vmem>>) offsets(%dma_start3A_908 : memref<128xi32, #tpu.memory_space<vmem>>) semaphore(%arg20 : memref<!tpu.dma_semaphore, #tpu.memory_space<semaphore_mem>>)
    %dma_start3A_911 = arith.constant 1 : i32
    %dma_start3A_912 = arith.constant 128 : i32
    %dma_start3A_913 = tpu.memref_slice %arg18[%dma_start3A_912] : memref<512xf32, #tpu.memory_space<vmem>> -> memref<128xf32, #tpu.memory_space<vmem>>
    %dma_start3A_914 = arith.constant 0 : i32
    %dma_start3A_915 = tpu.memref_slice %arg12[%dma_start3A_911, %dma_start3A_914] : memref<4x128xi32, #tpu.memory_space<vmem>> -> memref<1x128xi32, #tpu.memory_space<vmem>>
    %dma_start3A_916 = tpu.memref_squeeze %dma_start3A_915 : memref<1x128xi32, #tpu.memory_space<vmem>> -> memref<128xi32, #tpu.memory_space<vmem>>
    %dma_start3A_917 = arith.constant 0 : i32
    %dma_start3A_918 = tpu.memref_slice %arg6[%dma_start3A_917] : memref<1000000xf32, #tpu.memory_space<hbm>> -> memref<1000000xf32, #tpu.memory_space<hbm>>
    tpu.enqueue_indirect_dma source(%dma_start3A_918 : memref<1000000xf32, #tpu.memory_space<hbm>>) target(%dma_start3A_913 : memref<128xf32, #tpu.memory_space<vmem>>) offsets(%dma_start3A_916 : memref<128xi32, #tpu.memory_space<vmem>>) semaphore(%arg20 : memref<!tpu.dma_semaphore, #tpu.memory_space<semaphore_mem>>)
    %dma_start3A_919 = arith.constant 1 : i32
    %dma_start3A_920 = arith.constant 128 : i32
    %dma_start3A_921 = tpu.memref_slice %arg19[%dma_start3A_920] : memref<512xf32, #tpu.memory_space<vmem>> -> memref<128xf32, #tpu.memory_space<vmem>>
    %dma_start3A_922 = arith.constant 0 : i32
    %dma_start3A_923 = tpu.memref_slice %arg13[%dma_start3A_919, %dma_start3A_922] : memref<4x128xi32, #tpu.memory_space<vmem>> -> memref<1x128xi32, #tpu.memory_space<vmem>>
    %dma_start3A_924 = tpu.memref_squeeze %dma_start3A_923 : memref<1x128xi32, #tpu.memory_space<vmem>> -> memref<128xi32, #tpu.memory_space<vmem>>
    %dma_start3A_925 = arith.constant 0 : i32
    %dma_start3A_926 = tpu.memref_slice %arg7[%dma_start3A_925] : memref<1000000xf32, #tpu.memory_space<hbm>> -> memref<1000000xf32, #tpu.memory_space<hbm>>
    tpu.enqueue_indirect_dma source(%dma_start3A_926 : memref<1000000xf32, #tpu.memory_space<hbm>>) target(%dma_start3A_921 : memref<128xf32, #tpu.memory_space<vmem>>) offsets(%dma_start3A_924 : memref<128xi32, #tpu.memory_space<vmem>>) semaphore(%arg20 : memref<!tpu.dma_semaphore, #tpu.memory_space<semaphore_mem>>)
    %dma_start3A_927 = arith.constant 2 : i32
    %dma_start3A_928 = arith.constant 256 : i32
    %dma_start3A_929 = tpu.memref_slice %arg18[%dma_start3A_928] : memref<512xf32, #tpu.memory_space<vmem>> -> memref<128xf32, #tpu.memory_space<vmem>>
    %dma_start3A_930 = arith.constant 0 : i32
    %dma_start3A_931 = tpu.memref_slice %arg12[%dma_start3A_927, %dma_start3A_930] : memref<4x128xi32, #tpu.memory_space<vmem>> -> memref<1x128xi32, #tpu.memory_space<vmem>>
    %dma_start3A_932 = tpu.memref_squeeze %dma_start3A_931 : memref<1x128xi32, #tpu.memory_space<vmem>> -> memref<128xi32, #tpu.memory_space<vmem>>
    %dma_start3A_933 = arith.constant 0 : i32
    %dma_start3A_934 = tpu.memref_slice %arg6[%dma_start3A_933] : memref<1000000xf32, #tpu.memory_space<hbm>> -> memref<1000000xf32, #tpu.memory_space<hbm>>
    tpu.enqueue_indirect_dma source(%dma_start3A_934 : memref<1000000xf32, #tpu.memory_space<hbm>>) target(%dma_start3A_929 : memref<128xf32, #tpu.memory_space<vmem>>) offsets(%dma_start3A_932 : memref<128xi32, #tpu.memory_space<vmem>>) semaphore(%arg20 : memref<!tpu.dma_semaphore, #tpu.memory_space<semaphore_mem>>)
    %dma_start3A_935 = arith.constant 2 : i32
    %dma_start3A_936 = arith.constant 256 : i32
    %dma_start3A_937 = tpu.memref_slice %arg19[%dma_start3A_936] : memref<512xf32, #tpu.memory_space<vmem>> -> memref<128xf32, #tpu.memory_space<vmem>>
    %dma_start3A_938 = arith.constant 0 : i32
    %dma_start3A_939 = tpu.memref_slice %arg13[%dma_start3A_935, %dma_start3A_938] : memref<4x128xi32, #tpu.memory_space<vmem>> -> memref<1x128xi32, #tpu.memory_space<vmem>>
    %dma_start3A_940 = tpu.memref_squeeze %dma_start3A_939 : memref<1x128xi32, #tpu.memory_space<vmem>> -> memref<128xi32, #tpu.memory_space<vmem>>
    %dma_start3A_941 = arith.constant 0 : i32
    %dma_start3A_942 = tpu.memref_slice %arg7[%dma_start3A_941] : memref<1000000xf32, #tpu.memory_space<hbm>> -> memref<1000000xf32, #tpu.memory_space<hbm>>
    tpu.enqueue_indirect_dma source(%dma_start3A_942 : memref<1000000xf32, #tpu.memory_space<hbm>>) target(%dma_start3A_937 : memref<128xf32, #tpu.memory_space<vmem>>) offsets(%dma_start3A_940 : memref<128xi32, #tpu.memory_space<vmem>>) semaphore(%arg20 : memref<!tpu.dma_semaphore, #tpu.memory_space<semaphore_mem>>)
    %dma_start3A_943 = arith.constant 3 : i32
    %dma_start3A_944 = arith.constant 384 : i32
    %dma_start3A_945 = tpu.memref_slice %arg18[%dma_start3A_944] : memref<512xf32, #tpu.memory_space<vmem>> -> memref<128xf32, #tpu.memory_space<vmem>>
    %dma_start3A_946 = arith.constant 0 : i32
    %dma_start3A_947 = tpu.memref_slice %arg12[%dma_start3A_943, %dma_start3A_946] : memref<4x128xi32, #tpu.memory_space<vmem>> -> memref<1x128xi32, #tpu.memory_space<vmem>>
    %dma_start3A_948 = tpu.memref_squeeze %dma_start3A_947 : memref<1x128xi32, #tpu.memory_space<vmem>> -> memref<128xi32, #tpu.memory_space<vmem>>
    %dma_start3A_949 = arith.constant 0 : i32
    %dma_start3A_950 = tpu.memref_slice %arg6[%dma_start3A_949] : memref<1000000xf32, #tpu.memory_space<hbm>> -> memref<1000000xf32, #tpu.memory_space<hbm>>
    tpu.enqueue_indirect_dma source(%dma_start3A_950 : memref<1000000xf32, #tpu.memory_space<hbm>>) target(%dma_start3A_945 : memref<128xf32, #tpu.memory_space<vmem>>) offsets(%dma_start3A_948 : memref<128xi32, #tpu.memory_space<vmem>>) semaphore(%arg20 : memref<!tpu.dma_semaphore, #tpu.memory_space<semaphore_mem>>)
    %dma_start3A_951 = arith.constant 3 : i32
    %dma_start3A_952 = arith.constant 384 : i32
    %dma_start3A_953 = tpu.memref_slice %arg19[%dma_start3A_952] : memref<512xf32, #tpu.memory_space<vmem>> -> memref<128xf32, #tpu.memory_space<vmem>>
    %dma_start3A_954 = arith.constant 0 : i32
    %dma_start3A_955 = tpu.memref_slice %arg13[%dma_start3A_951, %dma_start3A_954] : memref<4x128xi32, #tpu.memory_space<vmem>> -> memref<1x128xi32, #tpu.memory_space<vmem>>
    %dma_start3A_956 = tpu.memref_squeeze %dma_start3A_955 : memref<1x128xi32, #tpu.memory_space<vmem>> -> memref<128xi32, #tpu.memory_space<vmem>>
    %dma_start3A_957 = arith.constant 0 : i32
    %dma_start3A_958 = tpu.memref_slice %arg7[%dma_start3A_957] : memref<1000000xf32, #tpu.memory_space<hbm>> -> memref<1000000xf32, #tpu.memory_space<hbm>>
    tpu.enqueue_indirect_dma source(%dma_start3A_958 : memref<1000000xf32, #tpu.memory_space<hbm>>) target(%dma_start3A_953 : memref<128xf32, #tpu.memory_space<vmem>>) offsets(%dma_start3A_956 : memref<128xi32, #tpu.memory_space<vmem>>) semaphore(%arg20 : memref<!tpu.dma_semaphore, #tpu.memory_space<semaphore_mem>>)
    %dma_start3A_959 = arith.constant 0 : i32
    %dma_start3A_960 = arith.constant 0 : i32
    %dma_start3A_961 = arith.constant 0 : i32
    %dma_start3A_962 = tpu.memref_slice %arg16[%dma_start3A_960, %dma_start3A_961] : memref<256x128xf32, #tpu.memory_space<vmem>> -> memref<128x128xf32, #tpu.memory_space<vmem>>
    %dma_start3A_963 = arith.constant 0 : i32
    %dma_start3A_964 = tpu.memref_slice %arg14[%dma_start3A_959, %dma_start3A_963] : memref<4x128xi32, #tpu.memory_space<vmem>> -> memref<1x128xi32, #tpu.memory_space<vmem>>
    %dma_start3A_965 = tpu.memref_squeeze %dma_start3A_964 : memref<1x128xi32, #tpu.memory_space<vmem>> -> memref<128xi32, #tpu.memory_space<vmem>>
    %dma_start3A_966 = arith.constant 0 : i32
    %dma_start3A_967 = arith.constant 0 : i32
    %dma_start3A_968 = tpu.memref_slice %arg4[%dma_start3A_966, %dma_start3A_967] : memref<250000x128xf32, #tpu.memory_space<hbm>> -> memref<250000x128xf32, #tpu.memory_space<hbm>>
    tpu.enqueue_indirect_dma source(%dma_start3A_968 : memref<250000x128xf32, #tpu.memory_space<hbm>>) target(%dma_start3A_962 : memref<128x128xf32, #tpu.memory_space<vmem>>) offsets(%dma_start3A_965 : memref<128xi32, #tpu.memory_space<vmem>>) semaphore(%arg20 : memref<!tpu.dma_semaphore, #tpu.memory_space<semaphore_mem>>)
    %dma_start3A_969 = arith.constant 0 : i32
    %dma_start3A_970 = arith.constant 0 : i32
    %dma_start3A_971 = arith.constant 0 : i32
    %dma_start3A_972 = tpu.memref_slice %arg17[%dma_start3A_970, %dma_start3A_971] : memref<256x128xf32, #tpu.memory_space<vmem>> -> memref<128x128xf32, #tpu.memory_space<vmem>>
    %dma_start3A_973 = arith.constant 0 : i32
    %dma_start3A_974 = tpu.memref_slice %arg15[%dma_start3A_969, %dma_start3A_973] : memref<4x128xi32, #tpu.memory_space<vmem>> -> memref<1x128xi32, #tpu.memory_space<vmem>>
    %dma_start3A_975 = tpu.memref_squeeze %dma_start3A_974 : memref<1x128xi32, #tpu.memory_space<vmem>> -> memref<128xi32, #tpu.memory_space<vmem>>
    %dma_start3A_976 = arith.constant 0 : i32
    %dma_start3A_977 = arith.constant 0 : i32
    %dma_start3A_978 = tpu.memref_slice %arg5[%dma_start3A_976, %dma_start3A_977] : memref<250000x128xf32, #tpu.memory_space<hbm>> -> memref<250000x128xf32, #tpu.memory_space<hbm>>
    tpu.enqueue_indirect_dma source(%dma_start3A_978 : memref<250000x128xf32, #tpu.memory_space<hbm>>) target(%dma_start3A_972 : memref<128x128xf32, #tpu.memory_space<vmem>>) offsets(%dma_start3A_975 : memref<128xi32, #tpu.memory_space<vmem>>) semaphore(%arg20 : memref<!tpu.dma_semaphore, #tpu.memory_space<semaphore_mem>>)
    %dma_start3A_979 = arith.constant 1 : i32
    %dma_start3A_980 = arith.constant 128 : i32
    %dma_start3A_981 = arith.constant 0 : i32
    %dma_start3A_982 = tpu.memref_slice %arg16[%dma_start3A_980, %dma_start3A_981] : memref<256x128xf32, #tpu.memory_space<vmem>> -> memref<128x128xf32, #tpu.memory_space<vmem>>
    %dma_start3A_983 = arith.constant 0 : i32
    %dma_start3A_984 = tpu.memref_slice %arg14[%dma_start3A_979, %dma_start3A_983] : memref<4x128xi32, #tpu.memory_space<vmem>> -> memref<1x128xi32, #tpu.memory_space<vmem>>
    %dma_start3A_985 = tpu.memref_squeeze %dma_start3A_984 : memref<1x128xi32, #tpu.memory_space<vmem>> -> memref<128xi32, #tpu.memory_space<vmem>>
    %dma_start3A_986 = arith.constant 0 : i32
    %dma_start3A_987 = arith.constant 0 : i32
    %dma_start3A_988 = tpu.memref_slice %arg4[%dma_start3A_986, %dma_start3A_987] : memref<250000x128xf32, #tpu.memory_space<hbm>> -> memref<250000x128xf32, #tpu.memory_space<hbm>>
    tpu.enqueue_indirect_dma source(%dma_start3A_988 : memref<250000x128xf32, #tpu.memory_space<hbm>>) target(%dma_start3A_982 : memref<128x128xf32, #tpu.memory_space<vmem>>) offsets(%dma_start3A_985 : memref<128xi32, #tpu.memory_space<vmem>>) semaphore(%arg20 : memref<!tpu.dma_semaphore, #tpu.memory_space<semaphore_mem>>)
    %dma_start3A_989 = arith.constant 1 : i32
    %dma_start3A_990 = arith.constant 128 : i32
    %dma_start3A_991 = arith.constant 0 : i32
    %dma_start3A_992 = tpu.memref_slice %arg17[%dma_start3A_990, %dma_start3A_991] : memref<256x128xf32, #tpu.memory_space<vmem>> -> memref<128x128xf32, #tpu.memory_space<vmem>>
    %dma_start3A_993 = arith.constant 0 : i32
    %dma_start3A_994 = tpu.memref_slice %arg15[%dma_start3A_989, %dma_start3A_993] : memref<4x128xi32, #tpu.memory_space<vmem>> -> memref<1x128xi32, #tpu.memory_space<vmem>>
    %dma_start3A_995 = tpu.memref_squeeze %dma_start3A_994 : memref<1x128xi32, #tpu.memory_space<vmem>> -> memref<128xi32, #tpu.memory_space<vmem>>
    %dma_start3A_996 = arith.constant 0 : i32
    %dma_start3A_997 = arith.constant 0 : i32
    %dma_start3A_998 = tpu.memref_slice %arg5[%dma_start3A_996, %dma_start3A_997] : memref<250000x128xf32, #tpu.memory_space<hbm>> -> memref<250000x128xf32, #tpu.memory_space<hbm>>
    tpu.enqueue_indirect_dma source(%dma_start3A_998 : memref<250000x128xf32, #tpu.memory_space<hbm>>) target(%dma_start3A_992 : memref<128x128xf32, #tpu.memory_space<vmem>>) offsets(%dma_start3A_995 : memref<128xi32, #tpu.memory_space<vmem>>) semaphore(%arg20 : memref<!tpu.dma_semaphore, #tpu.memory_space<semaphore_mem>>)
    %dma_wait3A = arith.constant 0 : i32
    %dma_wait3A_999 = arith.constant 0 : i32
    %dma_wait3A_1000 = arith.constant 0 : i32
    %dma_wait3A_1001 = tpu.memref_slice %arg16[%dma_wait3A_999, %dma_wait3A_1000] : memref<256x128xf32, #tpu.memory_space<vmem>> -> memref<128x128xf32, #tpu.memory_space<vmem>>
    %dma_wait3A_1002 = arith.constant 0 : i32
    %dma_wait3A_1003 = tpu.memref_slice %arg14[%dma_wait3A, %dma_wait3A_1002] : memref<4x128xi32, #tpu.memory_space<vmem>> -> memref<1x128xi32, #tpu.memory_space<vmem>>
    %dma_wait3A_1004 = tpu.memref_squeeze %dma_wait3A_1003 : memref<1x128xi32, #tpu.memory_space<vmem>> -> memref<128xi32, #tpu.memory_space<vmem>>
    %dma_wait3A_1005 = arith.constant 0 : i32
    %dma_wait3A_1006 = arith.constant 0 : i32
    %dma_wait3A_1007 = tpu.memref_slice %arg4[%dma_wait3A_1005, %dma_wait3A_1006] : memref<250000x128xf32, #tpu.memory_space<hbm>> -> memref<250000x128xf32, #tpu.memory_space<hbm>>
    tpu.wait_indirect_dma semaphore(%arg20 : memref<!tpu.dma_semaphore, #tpu.memory_space<semaphore_mem>>) src(%dma_wait3A_1007 : memref<250000x128xf32, #tpu.memory_space<hbm>>) dst(%dma_wait3A_1001 : memref<128x128xf32, #tpu.memory_space<vmem>>)
    %dma_wait3A_1008 = arith.constant 0 : i32
    %dma_wait3A_1009 = arith.constant 0 : i32
    %dma_wait3A_1010 = arith.constant 0 : i32
    %dma_wait3A_1011 = tpu.memref_slice %arg17[%dma_wait3A_1009, %dma_wait3A_1010] : memref<256x128xf32, #tpu.memory_space<vmem>> -> memref<128x128xf32, #tpu.memory_space<vmem>>
    %dma_wait3A_1012 = arith.constant 0 : i32
    %dma_wait3A_1013 = tpu.memref_slice %arg15[%dma_wait3A_1008, %dma_wait3A_1012] : memref<4x128xi32, #tpu.memory_space<vmem>> -> memref<1x128xi32, #tpu.memory_space<vmem>>
    %dma_wait3A_1014 = tpu.memref_squeeze %dma_wait3A_1013 : memref<1x128xi32, #tpu.memory_space<vmem>> -> memref<128xi32, #tpu.memory_space<vmem>>
    %dma_wait3A_1015 = arith.constant 0 : i32
    %dma_wait3A_1016 = arith.constant 0 : i32
    %dma_wait3A_1017 = tpu.memref_slice %arg5[%dma_wait3A_1015, %dma_wait3A_1016] : memref<250000x128xf32, #tpu.memory_space<hbm>> -> memref<250000x128xf32, #tpu.memory_space<hbm>>
    tpu.wait_indirect_dma semaphore(%arg20 : memref<!tpu.dma_semaphore, #tpu.memory_space<semaphore_mem>>) src(%dma_wait3A_1017 : memref<250000x128xf32, #tpu.memory_space<hbm>>) dst(%dma_wait3A_1011 : memref<128x128xf32, #tpu.memory_space<vmem>>)
    %dma_wait3A_1018 = arith.constant 1 : i32
    %dma_wait3A_1019 = arith.constant 128 : i32
    %dma_wait3A_1020 = arith.constant 0 : i32
    %dma_wait3A_1021 = tpu.memref_slice %arg16[%dma_wait3A_1019, %dma_wait3A_1020] : memref<256x128xf32, #tpu.memory_space<vmem>> -> memref<128x128xf32, #tpu.memory_space<vmem>>
    %dma_wait3A_1022 = arith.constant 0 : i32
    %dma_wait3A_1023 = tpu.memref_slice %arg14[%dma_wait3A_1018, %dma_wait3A_1022] : memref<4x128xi32, #tpu.memory_space<vmem>> -> memref<1x128xi32, #tpu.memory_space<vmem>>
    %dma_wait3A_1024 = tpu.memref_squeeze %dma_wait3A_1023 : memref<1x128xi32, #tpu.memory_space<vmem>> -> memref<128xi32, #tpu.memory_space<vmem>>
    %dma_wait3A_1025 = arith.constant 0 : i32
    %dma_wait3A_1026 = arith.constant 0 : i32
    %dma_wait3A_1027 = tpu.memref_slice %arg4[%dma_wait3A_1025, %dma_wait3A_1026] : memref<250000x128xf32, #tpu.memory_space<hbm>> -> memref<250000x128xf32, #tpu.memory_space<hbm>>
    tpu.wait_indirect_dma semaphore(%arg20 : memref<!tpu.dma_semaphore, #tpu.memory_space<semaphore_mem>>) src(%dma_wait3A_1027 : memref<250000x128xf32, #tpu.memory_space<hbm>>) dst(%dma_wait3A_1021 : memref<128x128xf32, #tpu.memory_space<vmem>>)
    %dma_wait3A_1028 = arith.constant 1 : i32
    %dma_wait3A_1029 = arith.constant 128 : i32
    %dma_wait3A_1030 = arith.constant 0 : i32
    %dma_wait3A_1031 = tpu.memref_slice %arg17[%dma_wait3A_1029, %dma_wait3A_1030] : memref<256x128xf32, #tpu.memory_space<vmem>> -> memref<128x128xf32, #tpu.memory_space<vmem>>
    %dma_wait3A_1032 = arith.constant 0 : i32
    %dma_wait3A_1033 = tpu.memref_slice %arg15[%dma_wait3A_1028, %dma_wait3A_1032] : memref<4x128xi32, #tpu.memory_space<vmem>> -> memref<1x128xi32, #tpu.memory_space<vmem>>
    %dma_wait3A_1034 = tpu.memref_squeeze %dma_wait3A_1033 : memref<1x128xi32, #tpu.memory_space<vmem>> -> memref<128xi32, #tpu.memory_space<vmem>>
    %dma_wait3A_1035 = arith.constant 0 : i32
    %dma_wait3A_1036 = arith.constant 0 : i32
    %dma_wait3A_1037 = tpu.memref_slice %arg5[%dma_wait3A_1035, %dma_wait3A_1036] : memref<250000x128xf32, #tpu.memory_space<hbm>> -> memref<250000x128xf32, #tpu.memory_space<hbm>>
    tpu.wait_indirect_dma semaphore(%arg20 : memref<!tpu.dma_semaphore, #tpu.memory_space<semaphore_mem>>) src(%dma_wait3A_1037 : memref<250000x128xf32, #tpu.memory_space<hbm>>) dst(%dma_wait3A_1031 : memref<128x128xf32, #tpu.memory_space<vmem>>)
    %add3A_1038 = arith.constant 0 : i32
    %add3A_1039 = arith.addi %mul3A_2, %add3A_1038 : i32
    %dma_start3A_1040 = arith.constant 0 : i32
    %dma_start3A_1041 = tpu.memref_slice %arg8[%add3A_1039, %dma_start3A_1040] : memref<16384x128xf32, #tpu.memory_space<hbm>> -> memref<256x128xf32, #tpu.memory_space<hbm>>
    %dma_start3A_1042 = arith.constant 0 : i32
    %dma_start3A_1043 = tpu.memref_slice %arg8[%add3A_1039, %dma_start3A_1042] : memref<16384x128xf32, #tpu.memory_space<hbm>> -> memref<256x128xf32, #tpu.memory_space<hbm>>
    tpu.enqueue_dma source(%arg16 : memref<256x128xf32, #tpu.memory_space<vmem>>) target(%dma_start3A_1043 : memref<256x128xf32, #tpu.memory_space<hbm>>) target_semaphore(%arg21 : memref<!tpu.dma_semaphore, #tpu.memory_space<semaphore_mem>>)
    %dma_wait3A_1044 = arith.constant 0 : i32
    %dma_wait3A_1045 = tpu.memref_slice %arg8[%add3A_1039, %dma_wait3A_1044] : memref<16384x128xf32, #tpu.memory_space<hbm>> -> memref<256x128xf32, #tpu.memory_space<hbm>>
    %dma_wait3A_1046 = arith.constant 0 : i32
    %dma_wait3A_1047 = tpu.memref_slice %arg8[%add3A_1039, %dma_wait3A_1046] : memref<16384x128xf32, #tpu.memory_space<hbm>> -> memref<256x128xf32, #tpu.memory_space<hbm>>
    tpu.wait_dma2 semaphore(%arg21 : memref<!tpu.dma_semaphore, #tpu.memory_space<semaphore_mem>>) src(%arg16 : memref<256x128xf32, #tpu.memory_space<vmem>>) dst(%dma_wait3A_1047 : memref<256x128xf32, #tpu.memory_space<hbm>>)
    %dma_start3A_1048 = arith.constant 0 : i32
    %dma_start3A_1049 = tpu.memref_slice %arg9[%add3A_1039, %dma_start3A_1048] : memref<16384x128xf32, #tpu.memory_space<hbm>> -> memref<256x128xf32, #tpu.memory_space<hbm>>
    %dma_start3A_1050 = arith.constant 0 : i32
    %dma_start3A_1051 = tpu.memref_slice %arg9[%add3A_1039, %dma_start3A_1050] : memref<16384x128xf32, #tpu.memory_space<hbm>> -> memref<256x128xf32, #tpu.memory_space<hbm>>
    tpu.enqueue_dma source(%arg17 : memref<256x128xf32, #tpu.memory_space<vmem>>) target(%dma_start3A_1051 : memref<256x128xf32, #tpu.memory_space<hbm>>) target_semaphore(%arg21 : memref<!tpu.dma_semaphore, #tpu.memory_space<semaphore_mem>>)
    %dma_wait3A_1052 = arith.constant 0 : i32
    %dma_wait3A_1053 = tpu.memref_slice %arg9[%add3A_1039, %dma_wait3A_1052] : memref<16384x128xf32, #tpu.memory_space<hbm>> -> memref<256x128xf32, #tpu.memory_space<hbm>>
    %dma_wait3A_1054 = arith.constant 0 : i32
    %dma_wait3A_1055 = tpu.memref_slice %arg9[%add3A_1039, %dma_wait3A_1054] : memref<16384x128xf32, #tpu.memory_space<hbm>> -> memref<256x128xf32, #tpu.memory_space<hbm>>
    tpu.wait_dma2 semaphore(%arg21 : memref<!tpu.dma_semaphore, #tpu.memory_space<semaphore_mem>>) src(%arg17 : memref<256x128xf32, #tpu.memory_space<vmem>>) dst(%dma_wait3A_1055 : memref<256x128xf32, #tpu.memory_space<hbm>>)
    %dma_start3A_1056 = arith.constant 2 : i32
    %dma_start3A_1057 = arith.constant 0 : i32
    %dma_start3A_1058 = arith.constant 0 : i32
    %dma_start3A_1059 = tpu.memref_slice %arg16[%dma_start3A_1057, %dma_start3A_1058] : memref<256x128xf32, #tpu.memory_space<vmem>> -> memref<128x128xf32, #tpu.memory_space<vmem>>
    %dma_start3A_1060 = arith.constant 0 : i32
    %dma_start3A_1061 = tpu.memref_slice %arg14[%dma_start3A_1056, %dma_start3A_1060] : memref<4x128xi32, #tpu.memory_space<vmem>> -> memref<1x128xi32, #tpu.memory_space<vmem>>
    %dma_start3A_1062 = tpu.memref_squeeze %dma_start3A_1061 : memref<1x128xi32, #tpu.memory_space<vmem>> -> memref<128xi32, #tpu.memory_space<vmem>>
    %dma_start3A_1063 = arith.constant 0 : i32
    %dma_start3A_1064 = arith.constant 0 : i32
    %dma_start3A_1065 = tpu.memref_slice %arg4[%dma_start3A_1063, %dma_start3A_1064] : memref<250000x128xf32, #tpu.memory_space<hbm>> -> memref<250000x128xf32, #tpu.memory_space<hbm>>
    tpu.enqueue_indirect_dma source(%dma_start3A_1065 : memref<250000x128xf32, #tpu.memory_space<hbm>>) target(%dma_start3A_1059 : memref<128x128xf32, #tpu.memory_space<vmem>>) offsets(%dma_start3A_1062 : memref<128xi32, #tpu.memory_space<vmem>>) semaphore(%arg20 : memref<!tpu.dma_semaphore, #tpu.memory_space<semaphore_mem>>)
    %dma_start3A_1066 = arith.constant 2 : i32
    %dma_start3A_1067 = arith.constant 0 : i32
    %dma_start3A_1068 = arith.constant 0 : i32
    %dma_start3A_1069 = tpu.memref_slice %arg17[%dma_start3A_1067, %dma_start3A_1068] : memref<256x128xf32, #tpu.memory_space<vmem>> -> memref<128x128xf32, #tpu.memory_space<vmem>>
    %dma_start3A_1070 = arith.constant 0 : i32
    %dma_start3A_1071 = tpu.memref_slice %arg15[%dma_start3A_1066, %dma_start3A_1070] : memref<4x128xi32, #tpu.memory_space<vmem>> -> memref<1x128xi32, #tpu.memory_space<vmem>>
    %dma_start3A_1072 = tpu.memref_squeeze %dma_start3A_1071 : memref<1x128xi32, #tpu.memory_space<vmem>> -> memref<128xi32, #tpu.memory_space<vmem>>
    %dma_start3A_1073 = arith.constant 0 : i32
    %dma_start3A_1074 = arith.constant 0 : i32
    %dma_start3A_1075 = tpu.memref_slice %arg5[%dma_start3A_1073, %dma_start3A_1074] : memref<250000x128xf32, #tpu.memory_space<hbm>> -> memref<250000x128xf32, #tpu.memory_space<hbm>>
    tpu.enqueue_indirect_dma source(%dma_start3A_1075 : memref<250000x128xf32, #tpu.memory_space<hbm>>) target(%dma_start3A_1069 : memref<128x128xf32, #tpu.memory_space<vmem>>) offsets(%dma_start3A_1072 : memref<128xi32, #tpu.memory_space<vmem>>) semaphore(%arg20 : memref<!tpu.dma_semaphore, #tpu.memory_space<semaphore_mem>>)
    %dma_start3A_1076 = arith.constant 3 : i32
    %dma_start3A_1077 = arith.constant 128 : i32
    %dma_start3A_1078 = arith.constant 0 : i32
    %dma_start3A_1079 = tpu.memref_slice %arg16[%dma_start3A_1077, %dma_start3A_1078] : memref<256x128xf32, #tpu.memory_space<vmem>> -> memref<128x128xf32, #tpu.memory_space<vmem>>
    %dma_start3A_1080 = arith.constant 0 : i32
    %dma_start3A_1081 = tpu.memref_slice %arg14[%dma_start3A_1076, %dma_start3A_1080] : memref<4x128xi32, #tpu.memory_space<vmem>> -> memref<1x128xi32, #tpu.memory_space<vmem>>
    %dma_start3A_1082 = tpu.memref_squeeze %dma_start3A_1081 : memref<1x128xi32, #tpu.memory_space<vmem>> -> memref<128xi32, #tpu.memory_space<vmem>>
    %dma_start3A_1083 = arith.constant 0 : i32
    %dma_start3A_1084 = arith.constant 0 : i32
    %dma_start3A_1085 = tpu.memref_slice %arg4[%dma_start3A_1083, %dma_start3A_1084] : memref<250000x128xf32, #tpu.memory_space<hbm>> -> memref<250000x128xf32, #tpu.memory_space<hbm>>
    tpu.enqueue_indirect_dma source(%dma_start3A_1085 : memref<250000x128xf32, #tpu.memory_space<hbm>>) target(%dma_start3A_1079 : memref<128x128xf32, #tpu.memory_space<vmem>>) offsets(%dma_start3A_1082 : memref<128xi32, #tpu.memory_space<vmem>>) semaphore(%arg20 : memref<!tpu.dma_semaphore, #tpu.memory_space<semaphore_mem>>)
    %dma_start3A_1086 = arith.constant 3 : i32
    %dma_start3A_1087 = arith.constant 128 : i32
    %dma_start3A_1088 = arith.constant 0 : i32
    %dma_start3A_1089 = tpu.memref_slice %arg17[%dma_start3A_1087, %dma_start3A_1088] : memref<256x128xf32, #tpu.memory_space<vmem>> -> memref<128x128xf32, #tpu.memory_space<vmem>>
    %dma_start3A_1090 = arith.constant 0 : i32
    %dma_start3A_1091 = tpu.memref_slice %arg15[%dma_start3A_1086, %dma_start3A_1090] : memref<4x128xi32, #tpu.memory_space<vmem>> -> memref<1x128xi32, #tpu.memory_space<vmem>>
    %dma_start3A_1092 = tpu.memref_squeeze %dma_start3A_1091 : memref<1x128xi32, #tpu.memory_space<vmem>> -> memref<128xi32, #tpu.memory_space<vmem>>
    %dma_start3A_1093 = arith.constant 0 : i32
    %dma_start3A_1094 = arith.constant 0 : i32
    %dma_start3A_1095 = tpu.memref_slice %arg5[%dma_start3A_1093, %dma_start3A_1094] : memref<250000x128xf32, #tpu.memory_space<hbm>> -> memref<250000x128xf32, #tpu.memory_space<hbm>>
    tpu.enqueue_indirect_dma source(%dma_start3A_1095 : memref<250000x128xf32, #tpu.memory_space<hbm>>) target(%dma_start3A_1089 : memref<128x128xf32, #tpu.memory_space<vmem>>) offsets(%dma_start3A_1092 : memref<128xi32, #tpu.memory_space<vmem>>) semaphore(%arg20 : memref<!tpu.dma_semaphore, #tpu.memory_space<semaphore_mem>>)
    %dma_wait3A_1096 = arith.constant 2 : i32
    %dma_wait3A_1097 = arith.constant 0 : i32
    %dma_wait3A_1098 = arith.constant 0 : i32
    %dma_wait3A_1099 = tpu.memref_slice %arg16[%dma_wait3A_1097, %dma_wait3A_1098] : memref<256x128xf32, #tpu.memory_space<vmem>> -> memref<128x128xf32, #tpu.memory_space<vmem>>
    %dma_wait3A_1100 = arith.constant 0 : i32
    %dma_wait3A_1101 = tpu.memref_slice %arg14[%dma_wait3A_1096, %dma_wait3A_1100] : memref<4x128xi32, #tpu.memory_space<vmem>> -> memref<1x128xi32, #tpu.memory_space<vmem>>
    %dma_wait3A_1102 = tpu.memref_squeeze %dma_wait3A_1101 : memref<1x128xi32, #tpu.memory_space<vmem>> -> memref<128xi32, #tpu.memory_space<vmem>>
    %dma_wait3A_1103 = arith.constant 0 : i32
    %dma_wait3A_1104 = arith.constant 0 : i32
    %dma_wait3A_1105 = tpu.memref_slice %arg4[%dma_wait3A_1103, %dma_wait3A_1104] : memref<250000x128xf32, #tpu.memory_space<hbm>> -> memref<250000x128xf32, #tpu.memory_space<hbm>>
    tpu.wait_indirect_dma semaphore(%arg20 : memref<!tpu.dma_semaphore, #tpu.memory_space<semaphore_mem>>) src(%dma_wait3A_1105 : memref<250000x128xf32, #tpu.memory_space<hbm>>) dst(%dma_wait3A_1099 : memref<128x128xf32, #tpu.memory_space<vmem>>)
    %dma_wait3A_1106 = arith.constant 2 : i32
    %dma_wait3A_1107 = arith.constant 0 : i32
    %dma_wait3A_1108 = arith.constant 0 : i32
    %dma_wait3A_1109 = tpu.memref_slice %arg17[%dma_wait3A_1107, %dma_wait3A_1108] : memref<256x128xf32, #tpu.memory_space<vmem>> -> memref<128x128xf32, #tpu.memory_space<vmem>>
    %dma_wait3A_1110 = arith.constant 0 : i32
    %dma_wait3A_1111 = tpu.memref_slice %arg15[%dma_wait3A_1106, %dma_wait3A_1110] : memref<4x128xi32, #tpu.memory_space<vmem>> -> memref<1x128xi32, #tpu.memory_space<vmem>>
    %dma_wait3A_1112 = tpu.memref_squeeze %dma_wait3A_1111 : memref<1x128xi32, #tpu.memory_space<vmem>> -> memref<128xi32, #tpu.memory_space<vmem>>
    %dma_wait3A_1113 = arith.constant 0 : i32
    %dma_wait3A_1114 = arith.constant 0 : i32
    %dma_wait3A_1115 = tpu.memref_slice %arg5[%dma_wait3A_1113, %dma_wait3A_1114] : memref<250000x128xf32, #tpu.memory_space<hbm>> -> memref<250000x128xf32, #tpu.memory_space<hbm>>
    tpu.wait_indirect_dma semaphore(%arg20 : memref<!tpu.dma_semaphore, #tpu.memory_space<semaphore_mem>>) src(%dma_wait3A_1115 : memref<250000x128xf32, #tpu.memory_space<hbm>>) dst(%dma_wait3A_1109 : memref<128x128xf32, #tpu.memory_space<vmem>>)
    %dma_wait3A_1116 = arith.constant 3 : i32
    %dma_wait3A_1117 = arith.constant 128 : i32
    %dma_wait3A_1118 = arith.constant 0 : i32
    %dma_wait3A_1119 = tpu.memref_slice %arg16[%dma_wait3A_1117, %dma_wait3A_1118] : memref<256x128xf32, #tpu.memory_space<vmem>> -> memref<128x128xf32, #tpu.memory_space<vmem>>
    %dma_wait3A_1120 = arith.constant 0 : i32
    %dma_wait3A_1121 = tpu.memref_slice %arg14[%dma_wait3A_1116, %dma_wait3A_1120] : memref<4x128xi32, #tpu.memory_space<vmem>> -> memref<1x128xi32, #tpu.memory_space<vmem>>
    %dma_wait3A_1122 = tpu.memref_squeeze %dma_wait3A_1121 : memref<1x128xi32, #tpu.memory_space<vmem>> -> memref<128xi32, #tpu.memory_space<vmem>>
    %dma_wait3A_1123 = arith.constant 0 : i32
    %dma_wait3A_1124 = arith.constant 0 : i32
    %dma_wait3A_1125 = tpu.memref_slice %arg4[%dma_wait3A_1123, %dma_wait3A_1124] : memref<250000x128xf32, #tpu.memory_space<hbm>> -> memref<250000x128xf32, #tpu.memory_space<hbm>>
    tpu.wait_indirect_dma semaphore(%arg20 : memref<!tpu.dma_semaphore, #tpu.memory_space<semaphore_mem>>) src(%dma_wait3A_1125 : memref<250000x128xf32, #tpu.memory_space<hbm>>) dst(%dma_wait3A_1119 : memref<128x128xf32, #tpu.memory_space<vmem>>)
    %dma_wait3A_1126 = arith.constant 3 : i32
    %dma_wait3A_1127 = arith.constant 128 : i32
    %dma_wait3A_1128 = arith.constant 0 : i32
    %dma_wait3A_1129 = tpu.memref_slice %arg17[%dma_wait3A_1127, %dma_wait3A_1128] : memref<256x128xf32, #tpu.memory_space<vmem>> -> memref<128x128xf32, #tpu.memory_space<vmem>>
    %dma_wait3A_1130 = arith.constant 0 : i32
    %dma_wait3A_1131 = tpu.memref_slice %arg15[%dma_wait3A_1126, %dma_wait3A_1130] : memref<4x128xi32, #tpu.memory_space<vmem>> -> memref<1x128xi32, #tpu.memory_space<vmem>>
    %dma_wait3A_1132 = tpu.memref_squeeze %dma_wait3A_1131 : memref<1x128xi32, #tpu.memory_space<vmem>> -> memref<128xi32, #tpu.memory_space<vmem>>
    %dma_wait3A_1133 = arith.constant 0 : i32
    %dma_wait3A_1134 = arith.constant 0 : i32
    %dma_wait3A_1135 = tpu.memref_slice %arg5[%dma_wait3A_1133, %dma_wait3A_1134] : memref<250000x128xf32, #tpu.memory_space<hbm>> -> memref<250000x128xf32, #tpu.memory_space<hbm>>
    tpu.wait_indirect_dma semaphore(%arg20 : memref<!tpu.dma_semaphore, #tpu.memory_space<semaphore_mem>>) src(%dma_wait3A_1135 : memref<250000x128xf32, #tpu.memory_space<hbm>>) dst(%dma_wait3A_1129 : memref<128x128xf32, #tpu.memory_space<vmem>>)
    %add3A_1136 = arith.constant 256 : i32
    %add3A_1137 = arith.addi %mul3A_2, %add3A_1136 : i32
    %dma_start3A_1138 = arith.constant 0 : i32
    %dma_start3A_1139 = tpu.memref_slice %arg8[%add3A_1137, %dma_start3A_1138] : memref<16384x128xf32, #tpu.memory_space<hbm>> -> memref<256x128xf32, #tpu.memory_space<hbm>>
    %dma_start3A_1140 = arith.constant 0 : i32
    %dma_start3A_1141 = tpu.memref_slice %arg8[%add3A_1137, %dma_start3A_1140] : memref<16384x128xf32, #tpu.memory_space<hbm>> -> memref<256x128xf32, #tpu.memory_space<hbm>>
    tpu.enqueue_dma source(%arg16 : memref<256x128xf32, #tpu.memory_space<vmem>>) target(%dma_start3A_1141 : memref<256x128xf32, #tpu.memory_space<hbm>>) target_semaphore(%arg21 : memref<!tpu.dma_semaphore, #tpu.memory_space<semaphore_mem>>)
    %dma_wait3A_1142 = arith.constant 0 : i32
    %dma_wait3A_1143 = tpu.memref_slice %arg8[%add3A_1137, %dma_wait3A_1142] : memref<16384x128xf32, #tpu.memory_space<hbm>> -> memref<256x128xf32, #tpu.memory_space<hbm>>
    %dma_wait3A_1144 = arith.constant 0 : i32
    %dma_wait3A_1145 = tpu.memref_slice %arg8[%add3A_1137, %dma_wait3A_1144] : memref<16384x128xf32, #tpu.memory_space<hbm>> -> memref<256x128xf32, #tpu.memory_space<hbm>>
    tpu.wait_dma2 semaphore(%arg21 : memref<!tpu.dma_semaphore, #tpu.memory_space<semaphore_mem>>) src(%arg16 : memref<256x128xf32, #tpu.memory_space<vmem>>) dst(%dma_wait3A_1145 : memref<256x128xf32, #tpu.memory_space<hbm>>)
    %dma_start3A_1146 = arith.constant 0 : i32
    %dma_start3A_1147 = tpu.memref_slice %arg9[%add3A_1137, %dma_start3A_1146] : memref<16384x128xf32, #tpu.memory_space<hbm>> -> memref<256x128xf32, #tpu.memory_space<hbm>>
    %dma_start3A_1148 = arith.constant 0 : i32
    %dma_start3A_1149 = tpu.memref_slice %arg9[%add3A_1137, %dma_start3A_1148] : memref<16384x128xf32, #tpu.memory_space<hbm>> -> memref<256x128xf32, #tpu.memory_space<hbm>>
    tpu.enqueue_dma source(%arg17 : memref<256x128xf32, #tpu.memory_space<vmem>>) target(%dma_start3A_1149 : memref<256x128xf32, #tpu.memory_space<hbm>>) target_semaphore(%arg21 : memref<!tpu.dma_semaphore, #tpu.memory_space<semaphore_mem>>)
    %dma_wait3A_1150 = arith.constant 0 : i32
    %dma_wait3A_1151 = tpu.memref_slice %arg9[%add3A_1137, %dma_wait3A_1150] : memref<16384x128xf32, #tpu.memory_space<hbm>> -> memref<256x128xf32, #tpu.memory_space<hbm>>
    %dma_wait3A_1152 = arith.constant 0 : i32
    %dma_wait3A_1153 = tpu.memref_slice %arg9[%add3A_1137, %dma_wait3A_1152] : memref<16384x128xf32, #tpu.memory_space<hbm>> -> memref<256x128xf32, #tpu.memory_space<hbm>>
    tpu.wait_dma2 semaphore(%arg21 : memref<!tpu.dma_semaphore, #tpu.memory_space<semaphore_mem>>) src(%arg17 : memref<256x128xf32, #tpu.memory_space<vmem>>) dst(%dma_wait3A_1153 : memref<256x128xf32, #tpu.memory_space<hbm>>)
    %dma_wait3A_1154 = arith.constant 0 : i32
    %dma_wait3A_1155 = arith.constant 0 : i32
    %dma_wait3A_1156 = tpu.memref_slice %arg18[%dma_wait3A_1155] : memref<512xf32, #tpu.memory_space<vmem>> -> memref<128xf32, #tpu.memory_space<vmem>>
    %dma_wait3A_1157 = arith.constant 0 : i32
    %dma_wait3A_1158 = tpu.memref_slice %arg12[%dma_wait3A_1154, %dma_wait3A_1157] : memref<4x128xi32, #tpu.memory_space<vmem>> -> memref<1x128xi32, #tpu.memory_space<vmem>>
    %dma_wait3A_1159 = tpu.memref_squeeze %dma_wait3A_1158 : memref<1x128xi32, #tpu.memory_space<vmem>> -> memref<128xi32, #tpu.memory_space<vmem>>
    %dma_wait3A_1160 = arith.constant 0 : i32
    %dma_wait3A_1161 = tpu.memref_slice %arg6[%dma_wait3A_1160] : memref<1000000xf32, #tpu.memory_space<hbm>> -> memref<1000000xf32, #tpu.memory_space<hbm>>
    tpu.wait_indirect_dma semaphore(%arg20 : memref<!tpu.dma_semaphore, #tpu.memory_space<semaphore_mem>>) src(%dma_wait3A_1161 : memref<1000000xf32, #tpu.memory_space<hbm>>) dst(%dma_wait3A_1156 : memref<128xf32, #tpu.memory_space<vmem>>)
    %dma_wait3A_1162 = arith.constant 0 : i32
    %dma_wait3A_1163 = arith.constant 0 : i32
    %dma_wait3A_1164 = tpu.memref_slice %arg19[%dma_wait3A_1163] : memref<512xf32, #tpu.memory_space<vmem>> -> memref<128xf32, #tpu.memory_space<vmem>>
    %dma_wait3A_1165 = arith.constant 0 : i32
    %dma_wait3A_1166 = tpu.memref_slice %arg13[%dma_wait3A_1162, %dma_wait3A_1165] : memref<4x128xi32, #tpu.memory_space<vmem>> -> memref<1x128xi32, #tpu.memory_space<vmem>>
    %dma_wait3A_1167 = tpu.memref_squeeze %dma_wait3A_1166 : memref<1x128xi32, #tpu.memory_space<vmem>> -> memref<128xi32, #tpu.memory_space<vmem>>
    %dma_wait3A_1168 = arith.constant 0 : i32
    %dma_wait3A_1169 = tpu.memref_slice %arg7[%dma_wait3A_1168] : memref<1000000xf32, #tpu.memory_space<hbm>> -> memref<1000000xf32, #tpu.memory_space<hbm>>
    tpu.wait_indirect_dma semaphore(%arg20 : memref<!tpu.dma_semaphore, #tpu.memory_space<semaphore_mem>>) src(%dma_wait3A_1169 : memref<1000000xf32, #tpu.memory_space<hbm>>) dst(%dma_wait3A_1164 : memref<128xf32, #tpu.memory_space<vmem>>)
    %dma_wait3A_1170 = arith.constant 1 : i32
    %dma_wait3A_1171 = arith.constant 128 : i32
    %dma_wait3A_1172 = tpu.memref_slice %arg18[%dma_wait3A_1171] : memref<512xf32, #tpu.memory_space<vmem>> -> memref<128xf32, #tpu.memory_space<vmem>>
    %dma_wait3A_1173 = arith.constant 0 : i32
    %dma_wait3A_1174 = tpu.memref_slice %arg12[%dma_wait3A_1170, %dma_wait3A_1173] : memref<4x128xi32, #tpu.memory_space<vmem>> -> memref<1x128xi32, #tpu.memory_space<vmem>>
    %dma_wait3A_1175 = tpu.memref_squeeze %dma_wait3A_1174 : memref<1x128xi32, #tpu.memory_space<vmem>> -> memref<128xi32, #tpu.memory_space<vmem>>
    %dma_wait3A_1176 = arith.constant 0 : i32
    %dma_wait3A_1177 = tpu.memref_slice %arg6[%dma_wait3A_1176] : memref<1000000xf32, #tpu.memory_space<hbm>> -> memref<1000000xf32, #tpu.memory_space<hbm>>
    tpu.wait_indirect_dma semaphore(%arg20 : memref<!tpu.dma_semaphore, #tpu.memory_space<semaphore_mem>>) src(%dma_wait3A_1177 : memref<1000000xf32, #tpu.memory_space<hbm>>) dst(%dma_wait3A_1172 : memref<128xf32, #tpu.memory_space<vmem>>)
    %dma_wait3A_1178 = arith.constant 1 : i32
    %dma_wait3A_1179 = arith.constant 128 : i32
    %dma_wait3A_1180 = tpu.memref_slice %arg19[%dma_wait3A_1179] : memref<512xf32, #tpu.memory_space<vmem>> -> memref<128xf32, #tpu.memory_space<vmem>>
    %dma_wait3A_1181 = arith.constant 0 : i32
    %dma_wait3A_1182 = tpu.memref_slice %arg13[%dma_wait3A_1178, %dma_wait3A_1181] : memref<4x128xi32, #tpu.memory_space<vmem>> -> memref<1x128xi32, #tpu.memory_space<vmem>>
    %dma_wait3A_1183 = tpu.memref_squeeze %dma_wait3A_1182 : memref<1x128xi32, #tpu.memory_space<vmem>> -> memref<128xi32, #tpu.memory_space<vmem>>
    %dma_wait3A_1184 = arith.constant 0 : i32
    %dma_wait3A_1185 = tpu.memref_slice %arg7[%dma_wait3A_1184] : memref<1000000xf32, #tpu.memory_space<hbm>> -> memref<1000000xf32, #tpu.memory_space<hbm>>
    tpu.wait_indirect_dma semaphore(%arg20 : memref<!tpu.dma_semaphore, #tpu.memory_space<semaphore_mem>>) src(%dma_wait3A_1185 : memref<1000000xf32, #tpu.memory_space<hbm>>) dst(%dma_wait3A_1180 : memref<128xf32, #tpu.memory_space<vmem>>)
    %dma_wait3A_1186 = arith.constant 2 : i32
    %dma_wait3A_1187 = arith.constant 256 : i32
    %dma_wait3A_1188 = tpu.memref_slice %arg18[%dma_wait3A_1187] : memref<512xf32, #tpu.memory_space<vmem>> -> memref<128xf32, #tpu.memory_space<vmem>>
    %dma_wait3A_1189 = arith.constant 0 : i32
    %dma_wait3A_1190 = tpu.memref_slice %arg12[%dma_wait3A_1186, %dma_wait3A_1189] : memref<4x128xi32, #tpu.memory_space<vmem>> -> memref<1x128xi32, #tpu.memory_space<vmem>>
    %dma_wait3A_1191 = tpu.memref_squeeze %dma_wait3A_1190 : memref<1x128xi32, #tpu.memory_space<vmem>> -> memref<128xi32, #tpu.memory_space<vmem>>
    %dma_wait3A_1192 = arith.constant 0 : i32
    %dma_wait3A_1193 = tpu.memref_slice %arg6[%dma_wait3A_1192] : memref<1000000xf32, #tpu.memory_space<hbm>> -> memref<1000000xf32, #tpu.memory_space<hbm>>
    tpu.wait_indirect_dma semaphore(%arg20 : memref<!tpu.dma_semaphore, #tpu.memory_space<semaphore_mem>>) src(%dma_wait3A_1193 : memref<1000000xf32, #tpu.memory_space<hbm>>) dst(%dma_wait3A_1188 : memref<128xf32, #tpu.memory_space<vmem>>)
    %dma_wait3A_1194 = arith.constant 2 : i32
    %dma_wait3A_1195 = arith.constant 256 : i32
    %dma_wait3A_1196 = tpu.memref_slice %arg19[%dma_wait3A_1195] : memref<512xf32, #tpu.memory_space<vmem>> -> memref<128xf32, #tpu.memory_space<vmem>>
    %dma_wait3A_1197 = arith.constant 0 : i32
    %dma_wait3A_1198 = tpu.memref_slice %arg13[%dma_wait3A_1194, %dma_wait3A_1197] : memref<4x128xi32, #tpu.memory_space<vmem>> -> memref<1x128xi32, #tpu.memory_space<vmem>>
    %dma_wait3A_1199 = tpu.memref_squeeze %dma_wait3A_1198 : memref<1x128xi32, #tpu.memory_space<vmem>> -> memref<128xi32, #tpu.memory_space<vmem>>
    %dma_wait3A_1200 = arith.constant 0 : i32
    %dma_wait3A_1201 = tpu.memref_slice %arg7[%dma_wait3A_1200] : memref<1000000xf32, #tpu.memory_space<hbm>> -> memref<1000000xf32, #tpu.memory_space<hbm>>
    tpu.wait_indirect_dma semaphore(%arg20 : memref<!tpu.dma_semaphore, #tpu.memory_space<semaphore_mem>>) src(%dma_wait3A_1201 : memref<1000000xf32, #tpu.memory_space<hbm>>) dst(%dma_wait3A_1196 : memref<128xf32, #tpu.memory_space<vmem>>)
    %dma_wait3A_1202 = arith.constant 3 : i32
    %dma_wait3A_1203 = arith.constant 384 : i32
    %dma_wait3A_1204 = tpu.memref_slice %arg18[%dma_wait3A_1203] : memref<512xf32, #tpu.memory_space<vmem>> -> memref<128xf32, #tpu.memory_space<vmem>>
    %dma_wait3A_1205 = arith.constant 0 : i32
    %dma_wait3A_1206 = tpu.memref_slice %arg12[%dma_wait3A_1202, %dma_wait3A_1205] : memref<4x128xi32, #tpu.memory_space<vmem>> -> memref<1x128xi32, #tpu.memory_space<vmem>>
    %dma_wait3A_1207 = tpu.memref_squeeze %dma_wait3A_1206 : memref<1x128xi32, #tpu.memory_space<vmem>> -> memref<128xi32, #tpu.memory_space<vmem>>
    %dma_wait3A_1208 = arith.constant 0 : i32
    %dma_wait3A_1209 = tpu.memref_slice %arg6[%dma_wait3A_1208] : memref<1000000xf32, #tpu.memory_space<hbm>> -> memref<1000000xf32, #tpu.memory_space<hbm>>
    tpu.wait_indirect_dma semaphore(%arg20 : memref<!tpu.dma_semaphore, #tpu.memory_space<semaphore_mem>>) src(%dma_wait3A_1209 : memref<1000000xf32, #tpu.memory_space<hbm>>) dst(%dma_wait3A_1204 : memref<128xf32, #tpu.memory_space<vmem>>)
    %dma_wait3A_1210 = arith.constant 3 : i32
    %dma_wait3A_1211 = arith.constant 384 : i32
    %dma_wait3A_1212 = tpu.memref_slice %arg19[%dma_wait3A_1211] : memref<512xf32, #tpu.memory_space<vmem>> -> memref<128xf32, #tpu.memory_space<vmem>>
    %dma_wait3A_1213 = arith.constant 0 : i32
    %dma_wait3A_1214 = tpu.memref_slice %arg13[%dma_wait3A_1210, %dma_wait3A_1213] : memref<4x128xi32, #tpu.memory_space<vmem>> -> memref<1x128xi32, #tpu.memory_space<vmem>>
    %dma_wait3A_1215 = tpu.memref_squeeze %dma_wait3A_1214 : memref<1x128xi32, #tpu.memory_space<vmem>> -> memref<128xi32, #tpu.memory_space<vmem>>
    %dma_wait3A_1216 = arith.constant 0 : i32
    %dma_wait3A_1217 = tpu.memref_slice %arg7[%dma_wait3A_1216] : memref<1000000xf32, #tpu.memory_space<hbm>> -> memref<1000000xf32, #tpu.memory_space<hbm>>
    tpu.wait_indirect_dma semaphore(%arg20 : memref<!tpu.dma_semaphore, #tpu.memory_space<semaphore_mem>>) src(%dma_wait3A_1217 : memref<1000000xf32, #tpu.memory_space<hbm>>) dst(%dma_wait3A_1212 : memref<128xf32, #tpu.memory_space<vmem>>)
    %dma_start3A_1218 = tpu.memref_slice %arg10[%mul3A_2] : memref<16384xf32, #tpu.memory_space<hbm>> -> memref<512xf32, #tpu.memory_space<hbm>>
    %dma_start3A_1219 = tpu.memref_slice %arg10[%mul3A_2] : memref<16384xf32, #tpu.memory_space<hbm>> -> memref<512xf32, #tpu.memory_space<hbm>>
    tpu.enqueue_dma source(%arg18 : memref<512xf32, #tpu.memory_space<vmem>>) target(%dma_start3A_1219 : memref<512xf32, #tpu.memory_space<hbm>>) target_semaphore(%arg21 : memref<!tpu.dma_semaphore, #tpu.memory_space<semaphore_mem>>)
    %dma_wait3A_1220 = tpu.memref_slice %arg10[%mul3A_2] : memref<16384xf32, #tpu.memory_space<hbm>> -> memref<512xf32, #tpu.memory_space<hbm>>
    %dma_wait3A_1221 = tpu.memref_slice %arg10[%mul3A_2] : memref<16384xf32, #tpu.memory_space<hbm>> -> memref<512xf32, #tpu.memory_space<hbm>>
    tpu.wait_dma2 semaphore(%arg21 : memref<!tpu.dma_semaphore, #tpu.memory_space<semaphore_mem>>) src(%arg18 : memref<512xf32, #tpu.memory_space<vmem>>) dst(%dma_wait3A_1221 : memref<512xf32, #tpu.memory_space<hbm>>)
    %dma_start3A_1222 = tpu.memref_slice %arg11[%mul3A_2] : memref<16384xf32, #tpu.memory_space<hbm>> -> memref<512xf32, #tpu.memory_space<hbm>>
    %dma_start3A_1223 = tpu.memref_slice %arg11[%mul3A_2] : memref<16384xf32, #tpu.memory_space<hbm>> -> memref<512xf32, #tpu.memory_space<hbm>>
    tpu.enqueue_dma source(%arg19 : memref<512xf32, #tpu.memory_space<vmem>>) target(%dma_start3A_1223 : memref<512xf32, #tpu.memory_space<hbm>>) target_semaphore(%arg21 : memref<!tpu.dma_semaphore, #tpu.memory_space<semaphore_mem>>)
    %dma_wait3A_1224 = tpu.memref_slice %arg11[%mul3A_2] : memref<16384xf32, #tpu.memory_space<hbm>> -> memref<512xf32, #tpu.memory_space<hbm>>
    %dma_wait3A_1225 = tpu.memref_slice %arg11[%mul3A_2] : memref<16384xf32, #tpu.memory_space<hbm>> -> memref<512xf32, #tpu.memory_space<hbm>>
    tpu.wait_dma2 semaphore(%arg21 : memref<!tpu.dma_semaphore, #tpu.memory_space<semaphore_mem>>) src(%arg19 : memref<512xf32, #tpu.memory_space<vmem>>) dst(%dma_wait3A_1225 : memref<512xf32, #tpu.memory_space<hbm>>)
    return
  }
}

module attributes {stable_mosaic.version = 14 : i64} {
  func.func @_tc_body(%arg0: i32, %arg1: memref<2048x128xf32, #tpu.memory_space<vmem>>, %arg2: memref<2048x128xf32, #tpu.memory_space<vmem>>, %arg3: memref<2048x1xf32, #tpu.memory_space<vmem>>, %arg4: memref<2048x1xf32, #tpu.memory_space<vmem>>, %arg5: memref<2048x1xi32, #tpu.memory_space<vmem>>, %arg6: memref<2048x1xi32, #tpu.memory_space<vmem>>, %arg7: memref<96x64xf32, #tpu.memory_space<vmem>>, %arg8: memref<1x64xf32, #tpu.memory_space<vmem>>, %arg9: memref<64x1xf32, #tpu.memory_space<vmem>>, %arg10: memref<1x1xf32, #tpu.memory_space<vmem>>, %arg11: memref<2048x1xf32, #tpu.memory_space<vmem>>, %arg12: memref<2048x1xf32, #tpu.memory_space<vmem>>) attributes {dimension_semantics = [#tpu.dimension_semantics<arbitrary>], iteration_bounds = array<i64: 8>, scalar_prefetch = 0 : i64, scratch_operands = 0 : i64, tpu.core_type = #tpu.core_type<tc>, window_params = [{transform_indices = @transform_0, window_bounds = array<i64: 2048, 128>}, {transform_indices = @transform_1, window_bounds = array<i64: 2048, 128>}, {transform_indices = @transform_2, window_bounds = array<i64: 2048, 1>}, {transform_indices = @transform_3, window_bounds = array<i64: 2048, 1>}, {transform_indices = @transform_4, window_bounds = array<i64: 2048, 1>}, {transform_indices = @transform_5, window_bounds = array<i64: 2048, 1>}, {pipeline_mode = #tpu.pipeline_mode<synchronous>, transform_indices = @transform_6, window_bounds = array<i64: 96, 64>}, {pipeline_mode = #tpu.pipeline_mode<synchronous>, transform_indices = @transform_7, window_bounds = array<i64: 1, 64>}, {pipeline_mode = #tpu.pipeline_mode<synchronous>, transform_indices = @transform_8, window_bounds = array<i64: 64, 1>}, {pipeline_mode = #tpu.pipeline_mode<synchronous>, transform_indices = @transform_9, window_bounds = array<i64: 1, 1>}, {transform_indices = @transform_10, window_bounds = array<i64: 2048, 1>}, {transform_indices = @transform_11, window_bounds = array<i64: 2048, 1>}]} {
    %get3A = arith.constant 0 : index
    %get3A_0 = arith.constant 0 : index
    %get3A_1 = vector.load %arg1[%get3A, %get3A_0] : memref<2048x128xf32, #tpu.memory_space<vmem>>, vector<2048x128xf32>
    %get3A_2 = arith.constant 0 : index
    %get3A_3 = arith.constant 0 : index
    %get3A_4 = vector.load %arg2[%get3A_2, %get3A_3] : memref<2048x128xf32, #tpu.memory_space<vmem>>, vector<2048x128xf32>
    %get3A_5 = arith.constant 0 : index
    %get3A_6 = arith.constant 0 : index
    %get3A_7 = vector.load %arg5[%get3A_5, %get3A_6] : memref<2048x1xi32, #tpu.memory_space<vmem>>, vector<2048x1xi32>
    %and3A = arith.constant 3 : i32
    %and3A_8 = vector.broadcast %and3A : i32 to vector<2048x1xi32>
    %and3A_9 = arith.andi %get3A_7, %and3A_8 : vector<2048x1xi32>
    %get3A_10 = arith.constant 0 : index
    %get3A_11 = arith.constant 0 : index
    %get3A_12 = vector.load %arg6[%get3A_10, %get3A_11] : memref<2048x1xi32, #tpu.memory_space<vmem>>, vector<2048x1xi32>
    %and3A_13 = arith.constant 3 : i32
    %and3A_14 = vector.broadcast %and3A_13 : i32 to vector<2048x1xi32>
    %and3A_15 = arith.andi %get3A_12, %and3A_14 : vector<2048x1xi32>
    %broadcast_in_dim3A = arith.constant 0.000000e+00 : f32
    %broadcast_in_dim3A_16 = vector.broadcast %broadcast_in_dim3A : f32 to vector<2048x32xf32>
    %broadcast_in_dim3A_17 = arith.constant 0.000000e+00 : f32
    %broadcast_in_dim3A_18 = vector.broadcast %broadcast_in_dim3A_17 : f32 to vector<2048x32xf32>
    %eq3A = arith.constant 0 : i32
    %eq3A_19 = vector.broadcast %eq3A : i32 to vector<2048x1xi32>
    %eq3A_20 = arith.cmpi eq, %and3A_9, %eq3A_19 : vector<2048x1xi32>
    %slice3A = vector.extract_strided_slice %get3A_1 {offsets = [0, 0], sizes = [2048, 32], strides = [1, 1]} : vector<2048x128xf32> to vector<2048x32xf32>
    %jit3A = arith.constant 0.000000e+00 : f32
    %broadcast_in_dim3A_21 = vector.shape_cast %eq3A_20 : vector<2048x1xi1> to vector<2048x1xi1>
    %broadcast_in_dim3A_22 = vector.broadcast %broadcast_in_dim3A_21 : vector<2048x1xi1> to vector<2048x32xi1>
    %broadcast_in_dim3A_23 = vector.broadcast %jit3A : f32 to vector<2048x32xf32>
    %select_n3A = arith.select %broadcast_in_dim3A_22, %slice3A, %broadcast_in_dim3A_23 : vector<2048x32xi1>, vector<2048x32xf32>
    %add3A = arith.addf %broadcast_in_dim3A_16, %select_n3A : vector<2048x32xf32>
    %eq3A_24 = arith.constant 0 : i32
    %eq3A_25 = vector.broadcast %eq3A_24 : i32 to vector<2048x1xi32>
    %eq3A_26 = arith.cmpi eq, %and3A_15, %eq3A_25 : vector<2048x1xi32>
    %slice3A_27 = vector.extract_strided_slice %get3A_4 {offsets = [0, 0], sizes = [2048, 32], strides = [1, 1]} : vector<2048x128xf32> to vector<2048x32xf32>
    %jit3A_28 = arith.constant 0.000000e+00 : f32
    %broadcast_in_dim3A_29 = vector.shape_cast %eq3A_26 : vector<2048x1xi1> to vector<2048x1xi1>
    %broadcast_in_dim3A_30 = vector.broadcast %broadcast_in_dim3A_29 : vector<2048x1xi1> to vector<2048x32xi1>
    %broadcast_in_dim3A_31 = vector.broadcast %jit3A_28 : f32 to vector<2048x32xf32>
    %select_n3A_32 = arith.select %broadcast_in_dim3A_30, %slice3A_27, %broadcast_in_dim3A_31 : vector<2048x32xi1>, vector<2048x32xf32>
    %add3A_33 = arith.addf %broadcast_in_dim3A_18, %select_n3A_32 : vector<2048x32xf32>
    %eq3A_34 = arith.constant 1 : i32
    %eq3A_35 = vector.broadcast %eq3A_34 : i32 to vector<2048x1xi32>
    %eq3A_36 = arith.cmpi eq, %and3A_9, %eq3A_35 : vector<2048x1xi32>
    %slice3A_37 = vector.extract_strided_slice %get3A_1 {offsets = [0, 32], sizes = [2048, 32], strides = [1, 1]} : vector<2048x128xf32> to vector<2048x32xf32>
    %jit3A_38 = arith.constant 0.000000e+00 : f32
    %broadcast_in_dim3A_39 = vector.shape_cast %eq3A_36 : vector<2048x1xi1> to vector<2048x1xi1>
    %broadcast_in_dim3A_40 = vector.broadcast %broadcast_in_dim3A_39 : vector<2048x1xi1> to vector<2048x32xi1>
    %broadcast_in_dim3A_41 = vector.broadcast %jit3A_38 : f32 to vector<2048x32xf32>
    %select_n3A_42 = arith.select %broadcast_in_dim3A_40, %slice3A_37, %broadcast_in_dim3A_41 : vector<2048x32xi1>, vector<2048x32xf32>
    %add3A_43 = arith.addf %add3A, %select_n3A_42 : vector<2048x32xf32>
    %eq3A_44 = arith.constant 1 : i32
    %eq3A_45 = vector.broadcast %eq3A_44 : i32 to vector<2048x1xi32>
    %eq3A_46 = arith.cmpi eq, %and3A_15, %eq3A_45 : vector<2048x1xi32>
    %slice3A_47 = vector.extract_strided_slice %get3A_4 {offsets = [0, 32], sizes = [2048, 32], strides = [1, 1]} : vector<2048x128xf32> to vector<2048x32xf32>
    %jit3A_48 = arith.constant 0.000000e+00 : f32
    %broadcast_in_dim3A_49 = vector.shape_cast %eq3A_46 : vector<2048x1xi1> to vector<2048x1xi1>
    %broadcast_in_dim3A_50 = vector.broadcast %broadcast_in_dim3A_49 : vector<2048x1xi1> to vector<2048x32xi1>
    %broadcast_in_dim3A_51 = vector.broadcast %jit3A_48 : f32 to vector<2048x32xf32>
    %select_n3A_52 = arith.select %broadcast_in_dim3A_50, %slice3A_47, %broadcast_in_dim3A_51 : vector<2048x32xi1>, vector<2048x32xf32>
    %add3A_53 = arith.addf %add3A_33, %select_n3A_52 : vector<2048x32xf32>
    %eq3A_54 = arith.constant 2 : i32
    %eq3A_55 = vector.broadcast %eq3A_54 : i32 to vector<2048x1xi32>
    %eq3A_56 = arith.cmpi eq, %and3A_9, %eq3A_55 : vector<2048x1xi32>
    %slice3A_57 = vector.extract_strided_slice %get3A_1 {offsets = [0, 64], sizes = [2048, 32], strides = [1, 1]} : vector<2048x128xf32> to vector<2048x32xf32>
    %jit3A_58 = arith.constant 0.000000e+00 : f32
    %broadcast_in_dim3A_59 = vector.shape_cast %eq3A_56 : vector<2048x1xi1> to vector<2048x1xi1>
    %broadcast_in_dim3A_60 = vector.broadcast %broadcast_in_dim3A_59 : vector<2048x1xi1> to vector<2048x32xi1>
    %broadcast_in_dim3A_61 = vector.broadcast %jit3A_58 : f32 to vector<2048x32xf32>
    %select_n3A_62 = arith.select %broadcast_in_dim3A_60, %slice3A_57, %broadcast_in_dim3A_61 : vector<2048x32xi1>, vector<2048x32xf32>
    %add3A_63 = arith.addf %add3A_43, %select_n3A_62 : vector<2048x32xf32>
    %eq3A_64 = arith.constant 2 : i32
    %eq3A_65 = vector.broadcast %eq3A_64 : i32 to vector<2048x1xi32>
    %eq3A_66 = arith.cmpi eq, %and3A_15, %eq3A_65 : vector<2048x1xi32>
    %slice3A_67 = vector.extract_strided_slice %get3A_4 {offsets = [0, 64], sizes = [2048, 32], strides = [1, 1]} : vector<2048x128xf32> to vector<2048x32xf32>
    %jit3A_68 = arith.constant 0.000000e+00 : f32
    %broadcast_in_dim3A_69 = vector.shape_cast %eq3A_66 : vector<2048x1xi1> to vector<2048x1xi1>
    %broadcast_in_dim3A_70 = vector.broadcast %broadcast_in_dim3A_69 : vector<2048x1xi1> to vector<2048x32xi1>
    %broadcast_in_dim3A_71 = vector.broadcast %jit3A_68 : f32 to vector<2048x32xf32>
    %select_n3A_72 = arith.select %broadcast_in_dim3A_70, %slice3A_67, %broadcast_in_dim3A_71 : vector<2048x32xi1>, vector<2048x32xf32>
    %add3A_73 = arith.addf %add3A_53, %select_n3A_72 : vector<2048x32xf32>
    %eq3A_74 = arith.constant 3 : i32
    %eq3A_75 = vector.broadcast %eq3A_74 : i32 to vector<2048x1xi32>
    %eq3A_76 = arith.cmpi eq, %and3A_9, %eq3A_75 : vector<2048x1xi32>
    %slice3A_77 = vector.extract_strided_slice %get3A_1 {offsets = [0, 96], sizes = [2048, 32], strides = [1, 1]} : vector<2048x128xf32> to vector<2048x32xf32>
    %jit3A_78 = arith.constant 0.000000e+00 : f32
    %broadcast_in_dim3A_79 = vector.shape_cast %eq3A_76 : vector<2048x1xi1> to vector<2048x1xi1>
    %broadcast_in_dim3A_80 = vector.broadcast %broadcast_in_dim3A_79 : vector<2048x1xi1> to vector<2048x32xi1>
    %broadcast_in_dim3A_81 = vector.broadcast %jit3A_78 : f32 to vector<2048x32xf32>
    %select_n3A_82 = arith.select %broadcast_in_dim3A_80, %slice3A_77, %broadcast_in_dim3A_81 : vector<2048x32xi1>, vector<2048x32xf32>
    %add3A_83 = arith.addf %add3A_63, %select_n3A_82 : vector<2048x32xf32>
    %eq3A_84 = arith.constant 3 : i32
    %eq3A_85 = vector.broadcast %eq3A_84 : i32 to vector<2048x1xi32>
    %eq3A_86 = arith.cmpi eq, %and3A_15, %eq3A_85 : vector<2048x1xi32>
    %slice3A_87 = vector.extract_strided_slice %get3A_4 {offsets = [0, 96], sizes = [2048, 32], strides = [1, 1]} : vector<2048x128xf32> to vector<2048x32xf32>
    %jit3A_88 = arith.constant 0.000000e+00 : f32
    %broadcast_in_dim3A_89 = vector.shape_cast %eq3A_86 : vector<2048x1xi1> to vector<2048x1xi1>
    %broadcast_in_dim3A_90 = vector.broadcast %broadcast_in_dim3A_89 : vector<2048x1xi1> to vector<2048x32xi1>
    %broadcast_in_dim3A_91 = vector.broadcast %jit3A_88 : f32 to vector<2048x32xf32>
    %select_n3A_92 = arith.select %broadcast_in_dim3A_90, %slice3A_87, %broadcast_in_dim3A_91 : vector<2048x32xi1>, vector<2048x32xf32>
    %add3A_93 = arith.addf %add3A_73, %select_n3A_92 : vector<2048x32xf32>
    %mul3A = arith.mulf %add3A_83, %add3A_93 : vector<2048x32xf32>
    %reduce_sum3A = arith.constant dense<0.000000e+00> : vector<2048xf32>
    %reduce_sum3A_94 = vector.multi_reduction <add>, %mul3A, %reduce_sum3A [1] : vector<2048x32xf32> to vector<2048xf32>
    %broadcast_in_dim3A_95 = vector.shape_cast %reduce_sum3A_94 : vector<2048xf32> to vector<2048x1xf32>
    %get3A_96 = arith.constant 0 : index
    %get3A_97 = arith.constant 0 : index
    %get3A_98 = vector.load %arg3[%get3A_96, %get3A_97] : memref<2048x1xf32, #tpu.memory_space<vmem>>, vector<2048x1xf32>
    %add3A_99 = arith.addf %broadcast_in_dim3A_95, %get3A_98 : vector<2048x1xf32>
    %get3A_100 = arith.constant 0 : index
    %get3A_101 = arith.constant 0 : index
    %get3A_102 = vector.load %arg4[%get3A_100, %get3A_101] : memref<2048x1xf32, #tpu.memory_space<vmem>>, vector<2048x1xf32>
    %add3A_103 = arith.addf %add3A_99, %get3A_102 : vector<2048x1xf32>
    %swap3A = arith.constant 0 : index
    %swap3A_104 = arith.constant 0 : index
    %swap3A_105 = vector.load %arg11[%swap3A, %swap3A_104] : memref<2048x1xf32, #tpu.memory_space<vmem>>, vector<2048x1xf32>
    tpu.vector_store %arg11[%swap3A, %swap3A_104], %add3A_103 {strides = array<i32>} : memref<2048x1xf32, #tpu.memory_space<vmem>>, vector<2048x1xf32>,
    %concatenate3A = tpu.concatenate %add3A_83, %add3A_93, %mul3A in 1 : vector<2048x32xf32>, vector<2048x32xf32>, vector<2048x32xf32> -> vector<2048x96xf32>
    %get3A_106 = arith.constant 0 : index
    %get3A_107 = arith.constant 0 : index
    %get3A_108 = vector.load %arg7[%get3A_106, %get3A_107] : memref<96x64xf32, #tpu.memory_space<vmem>>, vector<96x64xf32>
    %dot_general3A = arith.constant dense<0.000000e+00> : vector<2048x64xf32>
    %dot_general3A_109 = tpu.matmul %concatenate3A, %get3A_108, %dot_general3A {dimension_numbers = #tpu.dot_dimension_numbers<[1], [0], [0], [1], [0, 0, 1, 1], [], []>, transpose_lhs_hint = false} : vector<2048x96xf32>, vector<96x64xf32>, vector<2048x64xf32> -> vector<2048x64xf32>
    %get3A_110 = arith.constant 0 : index
    %get3A_111 = arith.constant 0 : index
    %get3A_112 = vector.load %arg8[%get3A_110, %get3A_111] : memref<1x64xf32, #tpu.memory_space<vmem>>, vector<1x64xf32>
    %add3A_113 = vector.broadcast %get3A_112 : vector<1x64xf32> to vector<2048x64xf32>
    %add3A_114 = arith.addf %dot_general3A_109, %add3A_113 : vector<2048x64xf32>
    %max3A = arith.constant 0.000000e+00 : f32
    %max3A_115 = vector.broadcast %max3A : f32 to vector<2048x64xf32>
    %max3A_116 = arith.maximumf %add3A_114, %max3A_115 : vector<2048x64xf32>
    %get3A_117 = arith.constant 0 : index
    %get3A_118 = arith.constant 0 : index
    %get3A_119 = vector.load %arg9[%get3A_117, %get3A_118] : memref<64x1xf32, #tpu.memory_space<vmem>>, vector<64x1xf32>
    %dot_general3A_120 = arith.constant dense<0.000000e+00> : vector<2048x1xf32>
    %dot_general3A_121 = tpu.matmul %max3A_116, %get3A_119, %dot_general3A_120 {dimension_numbers = #tpu.dot_dimension_numbers<[1], [0], [0], [1], [0, 0, 1, 1], [], []>, transpose_lhs_hint = false} : vector<2048x64xf32>, vector<64x1xf32>, vector<2048x1xf32> -> vector<2048x1xf32>
    %get3A_122 = arith.constant 0 : index
    %get3A_123 = arith.constant 0 : index
    %get3A_124 = vector.load %arg10[%get3A_122, %get3A_123] : memref<1x1xf32, #tpu.memory_space<vmem>>, vector<1x1xf32>
    %add3A_125 = vector.broadcast %get3A_124 : vector<1x1xf32> to vector<2048x1xf32>
    %add3A_126 = arith.addf %dot_general3A_121, %add3A_125 : vector<2048x1xf32>
    %swap3A_127 = arith.constant 0 : index
    %swap3A_128 = arith.constant 0 : index
    %swap3A_129 = vector.load %arg12[%swap3A_127, %swap3A_128] : memref<2048x1xf32, #tpu.memory_space<vmem>>, vector<2048x1xf32>
    tpu.vector_store %arg12[%swap3A_127, %swap3A_128], %add3A_126 {strides = array<i32>} : memref<2048x1xf32, #tpu.memory_space<vmem>>, vector<2048x1xf32>,
    return
  }
  func.func @transform_0(%arg0: i32) -> (i32, i32) {
    %c0_i32 = arith.constant 0 : i32
    %c0_i32_0 = arith.constant 0 : i32
    return %arg0, %c0_i32 : i32, i32
  }
  func.func @transform_1(%arg0: i32) -> (i32, i32) {
    %c0_i32 = arith.constant 0 : i32
    %c0_i32_0 = arith.constant 0 : i32
    return %arg0, %c0_i32 : i32, i32
  }
  func.func @transform_2(%arg0: i32) -> (i32, i32) {
    %c0_i32 = arith.constant 0 : i32
    %c0_i32_0 = arith.constant 0 : i32
    return %arg0, %c0_i32 : i32, i32
  }
  func.func @transform_3(%arg0: i32) -> (i32, i32) {
    %c0_i32 = arith.constant 0 : i32
    %c0_i32_0 = arith.constant 0 : i32
    return %arg0, %c0_i32 : i32, i32
  }
  func.func @transform_4(%arg0: i32) -> (i32, i32) {
    %c0_i32 = arith.constant 0 : i32
    %c0_i32_0 = arith.constant 0 : i32
    return %arg0, %c0_i32 : i32, i32
  }
  func.func @transform_5(%arg0: i32) -> (i32, i32) {
    %c0_i32 = arith.constant 0 : i32
    %c0_i32_0 = arith.constant 0 : i32
    return %arg0, %c0_i32 : i32, i32
  }
  func.func @transform_6(%arg0: i32) -> (i32, i32) {
    %c0_i32 = arith.constant 0 : i32
    %c0_i32_0 = arith.constant 0 : i32
    %c0_i32_1 = arith.constant 0 : i32
    return %c0_i32, %c0_i32_0 : i32, i32
  }
  func.func @transform_7(%arg0: i32) -> (i32, i32) {
    %c0_i32 = arith.constant 0 : i32
    %c0_i32_0 = arith.constant 0 : i32
    %c0_i32_1 = arith.constant 0 : i32
    return %c0_i32, %c0_i32_0 : i32, i32
  }
  func.func @transform_8(%arg0: i32) -> (i32, i32) {
    %c0_i32 = arith.constant 0 : i32
    %c0_i32_0 = arith.constant 0 : i32
    %c0_i32_1 = arith.constant 0 : i32
    return %c0_i32, %c0_i32_0 : i32, i32
  }
  func.func @transform_9(%arg0: i32) -> (i32, i32) {
    %c0_i32 = arith.constant 0 : i32
    %c0_i32_0 = arith.constant 0 : i32
    %c0_i32_1 = arith.constant 0 : i32
    return %c0_i32, %c0_i32_0 : i32, i32
  }
  func.func @transform_10(%arg0: i32) -> (i32, i32) {
    %c0_i32 = arith.constant 0 : i32
    %c0_i32_0 = arith.constant 0 : i32
    return %arg0, %c0_i32 : i32, i32
  }
  func.func @transform_11(%arg0: i32) -> (i32, i32) {
    %c0_i32 = arith.constant 0 : i32
    %c0_i32_0 = arith.constant 0 : i32
    return %arg0, %c0_i32 : i32, i32
  }
}

</mosaic_0001>

<sc_bundles>
// kernel: kernel.4.cloned.1.call-start
scs
__scs_entry_jumppad:
0x0: {  	(pc) =	sbr.rel $0x88, $3  }
0x1: {  	(tag) =	ssettag $0x0;
	lr =	simm.s32 $0x1  }
0x2: {  	[smem:$0x3F97] =	sst lr;
	_ =	strace $0xD0000000  }
0x3: {  	_ = 	snop  }
0x4: {  	_ = 	snop  }
0x5: {  	_ = 	snop  }
0x6: {  	_ = 	snop  }
0x7: {  	_ = 	snop  }
__scs_overlays_trampoline_lowered:
0x8: {  	[smem:$0x3FA6] =	sst s0  }
0x9: {  	[smem:$0x3FA7] =	sst s1  }
0xa: {  	[smem:$0x3FA8] =	sst s2  }
0xb: {  	[smem:$0x3FA9] =	sst s3  }
0xc: {  	[smem:$0x3FAA] =	sst s4  }
0xd: {  	[smem:$0x3FAB] =	sst s5  }
0xe: {  	[smem:$0x3FAC] =	sst s6  }
0xf: {  	[smem:$0x3FAD] =	sst s7  }
0x10: {  	[smem:$0x3FAE] =	sst s8  }
0x11: {  	[smem:$0x3FAF] =	sst s9;
	s0 =	simm.s32 @!p0 $0x0  }
0x12: {  	s1 =	sld [smem:$0x3F95];
	s0 =	simm.s32 @p0 $0x1  }
0x13: {  	[smem:$0x3FB0] =	sst s0;
	s0 =	simm.s32 @!p1 $0x0  }
0x14: {  	s2 =	sld [smem:$0x3F94];
	s0 =	simm.s32 @p1 $0x1  }
0x15: {  	[smem:$0x3FB1] =	sst s0;
	s0 =	simm.s32 @!p2 $0x0  }
0x16: {  	s3 =	sld [smem:$0x3FDB];
	s0 =	simm.s32 @p2 $0x1  }
0x17: {  	s4 =	simm.s32 $0x1BF5;
	[smem:$0x3FB3] =	sst s0  }
0x18: {  	s0 =	sld [smem:$0x3F96];
	_ =	swait.ge [sflag:s4], $0x0  }
0x19: {  	s7 =	sld [smem:$0x3F97]  }
0x1a: {  	s8 =	sadd.s32 $0xFFFFE003, lr  }
0x1b: {  	s9 =	sadd.s32 $0xFFFFFEF7, lr;
	s5 =	simm.s32 $0xFFFFFFFF;
	p2 =	slt.u32 s8, $0xFFFFF086  }
0x1c: {  	p1 =	slt.u32 s9, $0xF7A;
	s5 =	simm.s32 @!p2 $0x0  }
0x1d: {  	s5 =	simm.s32 @p1 $0x1;
	p0 =	seq.s32 s7, s2  }
0x1e: {  	s7 =	smul.u32 @!p0 $0xF7A, s2;
	p2 =	seq.s32 @!p0 s5, $0x0  }
0x1f: {  	s9 =	smul.u32 $0xF7A, s1;
	s8 =	simm.s32 @!p0 $0x1BF5;
	p2 =	por !p2, p0  }
0x20: {  	[sflag:s8] =	ssyncset.s32 @!p0 $0xFFFFF086;
	s6 =	sadd.s32 @!p0 s3, s7;
	s7 =	simm.s32 @!p0 $0x108  }
0x21: {  	s3 =	sadd.s32 s3, s9;
	s6 =	sadd.s32 @!p0 $0x88, s6;
	s7 =	simm.s32 @p2 $0x1082  }
0x22: {  	[simem:s7], [sflag:s8] =	dma.local @!p0 [hbm:s6], $0xF7A  }
0x23: {  	s9 =	sor.u32 $0xD0000000, s2;
	s6 =	simm.s32 $0x108;
	_ =	swait.ge @!p0 [sflag:s8], $0x0  }
0x24: {  	s3 =	sadd.s32 $0x88, s3;
	s6 =	simm.s32 @!p1 $0x1082;
	[sflag:s4] =	ssyncset.s32 $0xFFFFF086  }
0x25: {  	[simem:s6], [sflag:s4] =	dma.local [hbm:s3], $0xF7A  }
0x26: {  	[smem:$0x3F97] =	sst s1;
	(tag) =	ssettag s2;
	_ =	strace s9  }
0x27: {  	s1 =	sld [smem:$0x3FA7]  }
0x28: {  	s2 =	sld [smem:$0x3FA8]  }
0x29: {  	s4 =	sld [smem:$0x3FAA]  }
0x2a: {  	p0 =	seq.s32 s5, $0x0;
	s5 =	sld [smem:$0x3FAB]  }
0x2b: {  	s6 =	sld [smem:$0x3FAC]  }
0x2c: {  	s7 =	sld [smem:$0x3FAD]  }
0x2d: {  	s3 =	simm.s32 $0x108;
	s8 =	sld [smem:$0x3FAE]  }
0x2e: {  	s3 =	simm.s32 @!p0 $0x1082;
	s9 =	sld [smem:$0x3FAF]  }
0x2f: {  	lr =	sadd.s32 s0, s3;
	s0 =	sld [smem:$0x3FA6]  }
0x30: {  	s3 =	sld [smem:$0x3FA9]  }
0x31: {  	[smem:$0x3FB2] =	sst s10  }
0x32: {  	s10 =	sld [smem:$0x3FB0];
	_ =	sdelay $0x3  }
0x33: {  	p0 =	seq.s32 s10, $0x1;
	s10 =	sld [smem:$0x3FB2];
	_ =	sdelay $0x3  }
0x34: {  	[smem:$0x3FB2] =	sst s10  }
0x35: {  	s10 =	sld [smem:$0x3FB1];
	_ =	sdelay $0x3  }
0x36: {  	p1 =	seq.s32 s10, $0x1;
	s10 =	sld [smem:$0x3FB2];
	_ =	sdelay $0x3  }
0x37: {  	[smem:$0x3FB2] =	sst s10  }
0x38: {  	s10 =	sld [smem:$0x3FB3]  }
0x39: {  	_ = 	snop;
	(pc) =	sbr.ind lr, $3  }
0x3a: {  	_ = 	snop  }
0x3b: {  	_ = 	snop  }
0x3c: {  	p2 =	seq.s32 s10, $0x1;
	s10 =	sld [smem:$0x3FB2]  }
0x3d: {  	_ =	shalt  }
0x3e: {  	_ =	shalt  }
0x3f: {  	_ =	shalt  }
0x40: {  	_ =	shalt  }
0x41: {  	_ =	shalt  }
0x42: {  	_ =	shalt  }
0x43: {  	_ =	shalt  }
0x44: {  	_ =	shalt  }
0x45: {  	_ =	shalt  }
0x46: {  	_ =	shalt  }
0x47: {  	_ =	shalt  }
0x48: {  	_ =	shalt  }
0x49: {  	_ =	shalt  }
0x4a: {  	_ =	shalt  }
0x4b: {  	_ =	shalt  }
0x4c: {  	_ =	shalt  }
0x4d: {  	_ =	shalt  }
0x4e: {  	_ =	shalt  }
0x4f: {  	_ =	shalt  }
0x50: {  	_ =	shalt  }
0x51: {  	_ =	shalt  }
0x52: {  	_ =	shalt  }
0x53: {  	_ =	shalt  }
0x54: {  	_ =	shalt  }
0x55: {  	_ =	shalt  }
0x56: {  	_ =	shalt  }
0x57: {  	_ =	shalt  }
0x58: {  	_ =	shalt  }
0x59: {  	_ =	shalt  }
0x5a: {  	_ =	shalt  }
0x5b: {  	_ =	shalt  }
0x5c: {  	_ =	shalt  }
0x5d: {  	_ =	shalt  }
0x5e: {  	_ =	shalt  }
0x5f: {  	_ =	shalt  }
0x60: {  	_ =	shalt  }
0x61: {  	_ =	shalt  }
0x62: {  	_ =	shalt  }
0x63: {  	_ =	shalt  }
0x64: {  	_ =	shalt  }
0x65: {  	_ =	shalt  }
0x66: {  	_ =	shalt  }
0x67: {  	_ =	shalt  }
0x68: {  	_ =	shalt  }
0x69: {  	_ =	shalt  }
0x6a: {  	_ =	shalt  }
0x6b: {  	_ =	shalt  }
0x6c: {  	_ =	shalt  }
0x6d: {  	_ =	shalt  }
0x6e: {  	_ =	shalt  }
0x6f: {  	_ =	shalt  }
0x70: {  	_ =	shalt  }
0x71: {  	_ =	shalt  }
0x72: {  	_ =	shalt  }
0x73: {  	_ =	shalt  }
0x74: {  	_ =	shalt  }
0x75: {  	_ =	shalt  }
0x76: {  	_ =	shalt  }
0x77: {  	_ =	shalt  }
0x78: {  	_ =	shalt  }
0x79: {  	_ =	shalt  }
0x7a: {  	_ =	shalt  }
0x7b: {  	_ =	shalt  }
0x7c: {  	_ =	shalt  }
0x7d: {  	_ =	shalt  }
0x7e: {  	_ =	shalt  }
0x7f: {  	_ =	shalt  }
0x80: {  	_ =	shalt  }
0x81: {  	_ =	shalt  }
0x82: {  	_ =	shalt  }
0x83: {  	_ =	shalt  }
0x84: {  	_ =	shalt  }
0x85: {  	_ =	shalt  }
0x86: {  	_ =	shalt  }
0x87: {  	_ =	shalt  }
.Lfunc_end0:
.L_simem_size_0:
called_computation_lowered:
.L_overlay_start_0:
0x88: {  	s2 =	sld [smem:$0x3FD9]  }
0x89: {  	s3 =	sld [smem:$0x3FFE];
	_ =	sdelay $0x1  }
0x8a: {  	s1 =	srdreg.scid  }
0x8b: {  	s0 =	sand.u32 $0x1, s1  }
0x8c: {  	s14 =	sshll.u32 s0, $0xA;
	s2 =	sadd.s32 s3, s2  }
0x8d: {  	s2 =	sadd.s32 s2, s14  }
0x8e: {  	[smem:$0x3FBE] =	sst s2  }
0x8f: {  	_ = 	snop  }
0x90: {  	s2 =	sld [smem:$0x3FD0];
	_ =	sdelay $0x1  }
0x91: {  	s15 =	sld [smem:$0x3FC9]  }
0x92: {  	s5 =	simm.s32 $0xA;
	s6 =	simm.s32 $0x10;
	s4 =	sld [smem:$0x3FC8]  }
0x93: {  	[smem:s6], [sflag:s5] =	dma.local [hbm:s2], $0x1  }
0x94: {  	_ =	swait.eq [sflag:s5], $0x1  }
0x95: {  	[sflag:s5] =	ssyncset.done $0x0  }
0x96: {  	s16 =	sld [smem:$0x10];
	[sflag:s5] =	ssyncadd.s32 $0xFFFFFFFF  }
0x97: {  	s17 =	sld [smem:$0x11];
	(tm) =	ssettm $0x1  }
0x98: {  	s18 =	sld [smem:$0x3FFB];
	_ =	sdelay $0x3  }
0x99: {  	_ =	strace s18  }
0x9a: {  	s6 =	sld [smem:$0x3FFC];
	_ =	sdelay $0x3  }
0x9b: {  	_ =	strace s6  }
0x9c: {  	s6 =	sld [smem:$0x3FFD];
	_ =	sdelay $0x3  }
0x9d: {  	_ =	strace s6  }
0x9e: {  	_ =	strace $0x8FFFFFFF  }
0x9f: {  	s19 =	sld [smem:$0x3FDB];
	_ =	sdelay $0x1  }
0xa0: {  	s7 =	simm.s32 $_scs_section_size  }
0xa1: {  	s8 =	simm.s32 $_size__tile_overlayer_lowered;
	s9 =	simm.s32 $_tile_overlayer_lowered  }
0xa2: {  	s22 =	simm.s32 $0x1BFF;
	s21 =	sshll.u32 s9, $0x1;
	s6 =	sadd.s32 s7, s19  }
0xa3: {  	s10 =	simm.s32 $0x0;
	s20 =	sshll.u32 s8, $0x1;
	s8 =	sadd.s32 s21, s6  }
0xa4: {  	[timem:s10], [sflag:s22] =	dma.local [hbm:s8], s20  }
0xa5: {  	_ =	swait.ge [sflag:s22], s20  }
0xa6: {  	s7 =	ssub.s32 $0x0, s20;
	[sflag:s22] =	ssyncset.done $0x0  }
0xa7: {  	[sflag:s22] =	ssyncadd.s32 s7;
	_ =	sdelay $0x1  }
0xa8: {  	s23 =	simm.s32 $0x1B8B  }
0xa9: {  	_ =	swait.ge [sflag:s23], $0x1  }
0xaa: {  	[sflag:s23] =	ssyncset.done $0x0  }
0xab: {  	s25 =	simm.s32 $0x1B8E;
	s24 =	sld [smem:$0x3FFE];
	[sflag:s23] =	ssyncadd.s32 $0xFFFFFFFF  }
0xac: {  	s26 =	simm.s32 $execute0_lowered;
	[smem:$0x3FD2] =	sst s25  }
0xad: {  	s8 =	sshll.u32 s26, $0x1;
	_ =	strace $0x80000046;
	[dreg:$0x1] =	wrdreg $0xFFFFFFFF  }
0xae: {  	s28 =	simm.s32 $_size_execute0_lowered;
	s6 =	sadd.s32 s6, s8;
	[dreg:$0x0] =	wrdreg $0x0  }
0xaf: {  	s8 =	sshll.u32 s28, $0x1;
	[dreg:$0x2] =	wrdreg s6  }
0xb0: {  	[dreg:$0x3] =	wrdreg s8  }
0xb1: {  	[dreg:$0x4] =	wrdreg $0xC0  }
0xb2: {  	_ =	task [dreg:s10], $0x5FFFF  }
0xb3: {  	[dreg:$0x1] =	wrdreg $0xFFFFFFFF  }
0xb4: {  	[dreg:$0x0] =	wrdreg $0x60  }
0xb5: {  	[dreg:$0x2] =	wrdreg s15  }
0xb6: {  	[dreg:$0x3] =	wrdreg s4  }
0xb7: {  	[dreg:$0x4] =	wrdreg s24  }
0xb8: {  	[dreg:$0x5] =	wrdreg s17  }
0xb9: {  	[dreg:$0x6] =	wrdreg s16  }
0xba: {  	[dreg:$0x7] =	wrdreg $0x9  }
0xbb: {  	_ =	task.clear_ibuf [dreg:s10], $0x8FFFF;
	_ =	strace $0x90000046  }
0xbc: {  	s29 =	simm.s32 $0x9;
	_ =	strace $0x80000048  }
0xbd: {  	_ =	swait.ge [sflag:s29], $0x1  }
0xbe: {  	[sflag:s29] =	ssyncadd.s32 $0xFFFFFFFF  }
0xbf: {  	_ =	strace $0x90000048  }
0xc0: {  	_ =	sfence  }
0xc1: {  	s30 =	sld [smem:$0x0];
	_ =	sdelay $0x2  }
0xc2: {  	s31 =	sshll.u32 s1, $0xD;
	s1 =	sshrl.u32 s1, $0x2  }
0xc3: {  	s3 =	sand.u32 $0x4000, s31;
	s1 =	sadd.s32 s1, s30  }
0xc4: {  	s0 =	sor.u32 s3, s0;
	s1 =	sshll.u32 s1, $0x11  }
0xc5: {  	s0 =	sor.u32 s1, s0  }
0xc6: {  	s0 =	sadd.s32 $0x8F2B, s0  }
0xc7: {  	[sflag:s0] =	ssyncadd.remote.s32 $0x1  }
0xc8: {  	_ =	sfence.sel $0xFFFF  }
0xc9: {  	[dreg:$0x0] =	wrdreg $0xFFFFFFFF;
	(pc) =	sbr.abs _section_cstart, $3  }
0xca: {  	[dreg:$0x1] =	wrdreg $0xFFFFFFFF  }
0xcb: {  	_ =	task.clear_ibuf [dreg:s10], $0x2FFFF;
	_ =	strace $0x9FFFFFFF  }
0xcc: {  	(tm) =	ssettm $0x7FFFFFFF  }
0xcd: {  	_ =	shalt  }
tec
execute0_lowered:
.L_overlay_start_1:
0x0: {  	(tag) =	ssettag $0x1  }
0x1: {  	s0 =	rddreg [dreg:$0x0]  }
0x2: {  	s5 =	rddreg [dreg:$0x1]  }
0x3: {  	s6 =	rddreg [dreg:$0x2]  }
0x4: {  	s7 =	rddreg [dreg:$0x3]  }
0x5: {  	s8 =	rddreg [dreg:$0x4]  }
0x6: {  	s2 =	srdreg.scid;
	s1 =	stileid.u32  }
0x7: {  	s21 =	simm.s32 $0x10880;
	s22 =	simm.s32 $0x280;
	s23 =	simm.s32 $0x10A80  }
0x8: {  	s24 =	simm.s32 $0x100;
	s28 =	simm.s32 $0x2;
	s29 =	simm.s32 $0x500  }
0x9: {  	s30 =	simm.s32 $0x700;
	s31 =	simm.s32 $0x580;
	s9 =	sand.u32 $0x1, s2  }
0xa: {  	s2 =	simm.s32 $0x0;
	s3 =	sshll.u32 s1, $0xA;
	s12 =	sadd.s32 $0x3D800, s6  }
0xb: {  	s1 =	sadd.s32 $0x7D800, s6;
	s4 =	sshll.u32 s9, $0x9;
	[smem:$0x7FF] =	sst s2  }
0xc: {  	s9 =	ssub.s32 $0x2, s9;
	_ =	strace $0x80000047;
	[dreg:$0xe] =	wrdreg s21  }
0xd: {  	s10 =	sor.u32 s4, s3;
	s3 =	sadd.s32 $0xF42800, s6;
	[dreg:$0xf] =	wrdreg s22  }
0xe: {  	s4 =	sadd.s32 $0x1313200, s6;
	s19 =	sshrl.u32 s9, $0x1;
	[dreg:$0x10] =	wrdreg s23  }
0xf: {  	[dreg:$0x11] =	wrdreg s24;
	s21 =	simm.s32 $0x8800;
	s22 =	simm.s32 $0x480  }
0x10: {  	s23 =	simm.s32 $0x4800;
	s24 =	simm.s32 $0x680;
	s11 =	sshrl.u32 s10, $0x3  }
0x11: {  	s26 =	sshll.u32 s10, $0x4;
	s10 =	simm.s32 $0x80;
	s0 =	sadd.s32 s0, s11  }
0x12: {  	s25 =	sadd.s32 s5, s11;
	s14 =	sadd.s32 s12, s26;
	s15 =	sadd.s32 s1, s26  }
0x13: {  	s13 =	sor.u32 $0x1000, s26;
	s5 =	sadd.s32 $0x400, s6;
	[dreg:$0x6] =	wrdreg s0  }
0x14: {  	s6 =	sadd.s32 $0x1EE00, s6;
	s18 =	sadd.s32 s7, s11;
	[dreg:$0x7] =	wrdreg s25  }
0x15: {  	s20 =	sadd.s32 s8, s11;
	s7 =	ssub.s32 s9, s19;
	[dreg:$0x8] =	wrdreg s14  }
0x16: {  	s8 =	simm.s32 $0x3;
	s9 =	simm.s32 $0x200;
	[dreg:$0x9] =	wrdreg s15  }
0x17: {  	s11 =	simm.s32 $0x10800;
	s26 =	simm.s32 $0x300;
	[dreg:$0xc] =	wrdreg s18  }
0x18: {  	s19 =	simm.s32 $0x800;
	s16 =	sadd.s32 s12, s13;
	[dreg:$0xd] =	wrdreg s20  }
0x19: {  	s17 =	sadd.s32 s1, s13;
	s7 =	smax.u32 s7, $0x1;
	[dreg:$0x13] =	wrdreg s26  }
0x1a: {  	s25 =	simm.s32 $0x10900;
	s12 =	simm.s32 $0x10A00;
	[dreg:$0xa] =	wrdreg s16  }
0x1b: {  	s18 =	simm.s32 $0x400;
	s20 =	simm.s32 $0x600;
	[dreg:$0xb] =	wrdreg s17  }
0x1c: {  	s26 =	simm.s32 $0x1;
	s0 =	simm.s32 $0x780;
	[dreg:$0x12] =	wrdreg s25  }
0x1d: {  	s16 =	simm.s32 $0x380;
	s17 =	simm.s32 $0x10B80;
	s25 =	simm.s32 $0xC800  }
.LBB2_1:
0x1e: {  	s1 =	rddreg [dreg:$0x6]  }
0x1f: {  	[tilespmem:s2], [sflag:$0x3] =	stream.linear.gather [hbm4b:s1+s2], $0x200, $0x38;
	[tilespmem:$0x10C00] =	vst v63  }
0x20: {  	_ =	swait.ge [sflag:s8], $0x200  }
0x21: {  	[sflag:s8] =	ssyncset.done $0x0  }
0x22: {  	s14 =	rddreg [dreg:$0x7];
	[sflag:s8] =	ssyncadd.s32 $0xFFFFFE00  }
0x23: {  	[tilespmem:s9], [sflag:$0x3] =	stream.linear.gather [hbm4b:s14+s2], $0x200, $0x38;
	[tilespmem:$0x10C00] =	vst v63  }
0x24: {  	_ =	swait.ge [sflag:s8], $0x200  }
0x25: {  	[sflag:s8] =	ssyncset.done $0x0  }
0x26: {  	[sflag:s8] =	ssyncadd.s32 $0xFFFFFE00  }
0x27: {  	v0 =	vld [tilespmem:$0x0]  }
0x28: {  	v1 =	vld [tilespmem:$0x200]  }
0x29: {  	v2 =	vld [tilespmem:$0x10]  }
0x2a: {  	v3 =	vld [tilespmem:$0x210]  }
0x2b: {  	v4 =	vld [tilespmem:$0x20]  }
0x2c: {  	v5 =	vld [tilespmem:$0x220];
	v0 =	vshrl.u32 v0, $0x2  }
0x2d: {  	v57 =	vld [tilespmem:$0x30];
	v56 =	vshrl.u32 v1, $0x2;
	[tilespmem:$0x400] =	vst v0  }
0x2e: {  	v59 =	vld [tilespmem:$0x230];
	v58 =	vshrl.u32 v2, $0x2;
	[tilespmem:$0x600] =	vst v56  }
0x2f: {  	v61 =	vld [tilespmem:$0x40];
	v60 =	vshrl.u32 v3, $0x2;
	[tilespmem:$0x410] =	vst v58  }
0x30: {  	v63 =	vld [tilespmem:$0x240];
	v62 =	vshrl.u32 v4, $0x2;
	[tilespmem:$0x610] =	vst v60  }
0x31: {  	v9 =	vld [tilespmem:$0x50];
	v8 =	vshrl.u32 v5, $0x2;
	[tilespmem:$0x420] =	vst v62  }
0x32: {  	v11 =	vld [tilespmem:$0x250];
	v10 =	vshrl.u32 v57, $0x2;
	[tilespmem:$0x620] =	vst v8  }
0x33: {  	v13 =	vld [tilespmem:$0x60];
	v12 =	vshrl.u32 v59, $0x2;
	[tilespmem:$0x430] =	vst v10  }
0x34: {  	v15 =	vld [tilespmem:$0x260];
	v14 =	vshrl.u32 v61, $0x2;
	[tilespmem:$0x630] =	vst v12  }
0x35: {  	v17 =	vld [tilespmem:$0x70];
	v16 =	vshrl.u32 v63, $0x2;
	[tilespmem:$0x440] =	vst v14  }
0x36: {  	v19 =	vld [tilespmem:$0x270];
	v18 =	vshrl.u32 v9, $0x2;
	[tilespmem:$0x640] =	vst v16  }
0x37: {  	v21 =	vld [tilespmem:$0x80];
	v20 =	vshrl.u32 v11, $0x2;
	[tilespmem:$0x450] =	vst v18  }
0x38: {  	v23 =	vld [tilespmem:$0x280];
	v22 =	vshrl.u32 v13, $0x2;
	[tilespmem:$0x650] =	vst v20  }
0x39: {  	v25 =	vld [tilespmem:$0x90];
	v24 =	vshrl.u32 v15, $0x2;
	[tilespmem:$0x460] =	vst v22  }
0x3a: {  	v27 =	vld [tilespmem:$0x290];
	v26 =	vshrl.u32 v17, $0x2;
	[tilespmem:$0x660] =	vst v24  }
0x3b: {  	v29 =	vld [tilespmem:$0xA0];
	v28 =	vshrl.u32 v19, $0x2;
	[tilespmem:$0x470] =	vst v26  }
0x3c: {  	v31 =	vld [tilespmem:$0x2A0];
	v30 =	vshrl.u32 v21, $0x2;
	[tilespmem:$0x670] =	vst v28  }
0x3d: {  	v33 =	vld [tilespmem:$0xB0];
	v32 =	vshrl.u32 v23, $0x2;
	[tilespmem:$0x480] =	vst v30  }
0x3e: {  	v35 =	vld [tilespmem:$0x2B0];
	v34 =	vshrl.u32 v25, $0x2;
	[tilespmem:$0x680] =	vst v32  }
0x3f: {  	v37 =	vld [tilespmem:$0xC0];
	v36 =	vshrl.u32 v27, $0x2;
	[tilespmem:$0x490] =	vst v34  }
0x40: {  	v39 =	vld [tilespmem:$0x2C0];
	v38 =	vshrl.u32 v29, $0x2;
	[tilespmem:$0x690] =	vst v36  }
0x41: {  	v41 =	vld [tilespmem:$0xD0];
	v40 =	vshrl.u32 v31, $0x2;
	[tilespmem:$0x4A0] =	vst v38  }
0x42: {  	v43 =	vld [tilespmem:$0x2D0];
	v42 =	vshrl.u32 v33, $0x2;
	[tilespmem:$0x6A0] =	vst v40  }
0x43: {  	v45 =	vld [tilespmem:$0xE0];
	v44 =	vshrl.u32 v35, $0x2;
	[tilespmem:$0x4B0] =	vst v42  }
0x44: {  	v55 =	vld [tilespmem:$0x300];
	v46 =	vshrl.u32 v37, $0x2;
	[tilespmem:$0x6B0] =	vst v44  }
0x45: {  	v47 =	vld [tilespmem:$0x2E0];
	v48 =	vshrl.u32 v39, $0x2;
	[tilespmem:$0x4C0] =	vst v46  }
0x46: {  	v49 =	vld [tilespmem:$0xF0];
	v50 =	vshrl.u32 v41, $0x2;
	[tilespmem:$0x6C0] =	vst v48  }
0x47: {  	v51 =	vld [tilespmem:$0x2F0];
	v52 =	vshrl.u32 v43, $0x2;
	[tilespmem:$0x4D0] =	vst v50  }
0x48: {  	v53 =	vld [tilespmem:$0x100];
	v54 =	vshrl.u32 v45, $0x2;
	[tilespmem:$0x6D0] =	vst v52  }
0x49: {  	v57 =	vld [tilespmem:$0x110];
	v7 =	vshrl.u32 v55, $0x2;
	[tilespmem:$0x4E0] =	vst v54  }
0x4a: {  	v59 =	vld [tilespmem:$0x310];
	v56 =	vshrl.u32 v47, $0x2;
	[tilespmem:$0x700] =	vst v7  }
0x4b: {  	v61 =	vld [tilespmem:$0x120];
	v58 =	vshrl.u32 v49, $0x2;
	[tilespmem:$0x6E0] =	vst v56  }
0x4c: {  	v63 =	vld [tilespmem:$0x320];
	v60 =	vshrl.u32 v51, $0x2;
	[tilespmem:$0x4F0] =	vst v58  }
0x4d: {  	v62 =	vshrl.u32 v53, $0x2;
	v8 =	vld [tilespmem:$0x130];
	[tilespmem:$0x6F0] =	vst v60  }
0x4e: {  	v10 =	vld [tilespmem:$0x330];
	[tilespmem:$0x500] =	vst v62;
	v9 =	vshrl.u32 v57, $0x2  }
0x4f: {  	v12 =	vld [tilespmem:$0x140];
	v11 =	vshrl.u32 v59, $0x2;
	[tilespmem:$0x510] =	vst v9  }
0x50: {  	v14 =	vld [tilespmem:$0x340];
	v13 =	vshrl.u32 v61, $0x2;
	[tilespmem:$0x710] =	vst v11  }
0x51: {  	v16 =	vld [tilespmem:$0x150];
	v15 =	vshrl.u32 v63, $0x2;
	[tilespmem:$0x520] =	vst v13  }
0x52: {  	v18 =	vld [tilespmem:$0x350];
	[tilespmem:$0x720] =	vst v15;
	v17 =	vshrl.u32 v8, $0x2  }
0x53: {  	v20 =	vld [tilespmem:$0x160];
	v19 =	vshrl.u32 v10, $0x2;
	[tilespmem:$0x530] =	vst v17  }
0x54: {  	v22 =	vld [tilespmem:$0x360];
	v21 =	vshrl.u32 v12, $0x2;
	[tilespmem:$0x730] =	vst v19  }
0x55: {  	v24 =	vld [tilespmem:$0x170];
	v23 =	vshrl.u32 v14, $0x2;
	[tilespmem:$0x540] =	vst v21  }
0x56: {  	v26 =	vld [tilespmem:$0x370];
	v25 =	vshrl.u32 v16, $0x2;
	[tilespmem:$0x740] =	vst v23  }
0x57: {  	v28 =	vld [tilespmem:$0x180];
	v27 =	vshrl.u32 v18, $0x2;
	[tilespmem:$0x550] =	vst v25  }
0x58: {  	v30 =	vld [tilespmem:$0x380];
	v29 =	vshrl.u32 v20, $0x2;
	[tilespmem:$0x750] =	vst v27  }
0x59: {  	v32 =	vld [tilespmem:$0x190];
	v31 =	vshrl.u32 v22, $0x2;
	[tilespmem:$0x560] =	vst v29  }
0x5a: {  	v34 =	vld [tilespmem:$0x390];
	v33 =	vshrl.u32 v24, $0x2;
	[tilespmem:$0x760] =	vst v31  }
0x5b: {  	v36 =	vld [tilespmem:$0x1A0];
	v35 =	vshrl.u32 v26, $0x2;
	[tilespmem:$0x570] =	vst v33  }
0x5c: {  	v38 =	vld [tilespmem:$0x3A0];
	v37 =	vshrl.u32 v28, $0x2;
	[tilespmem:$0x770] =	vst v35  }
0x5d: {  	v40 =	vld [tilespmem:$0x1B0];
	v39 =	vshrl.u32 v30, $0x2;
	[tilespmem:$0x580] =	vst v37  }
0x5e: {  	v42 =	vld [tilespmem:$0x3B0];
	v41 =	vshrl.u32 v32, $0x2;
	[tilespmem:$0x780] =	vst v39  }
0x5f: {  	v44 =	vld [tilespmem:$0x1C0];
	v43 =	vshrl.u32 v34, $0x2;
	[tilespmem:$0x590] =	vst v41  }
0x60: {  	v46 =	vld [tilespmem:$0x3C0];
	v45 =	vshrl.u32 v36, $0x2;
	[tilespmem:$0x790] =	vst v43  }
0x61: {  	v48 =	vld [tilespmem:$0x1D0];
	v47 =	vshrl.u32 v38, $0x2;
	[tilespmem:$0x5A0] =	vst v45  }
0x62: {  	v50 =	vld [tilespmem:$0x3D0];
	v49 =	vshrl.u32 v40, $0x2;
	[tilespmem:$0x7A0] =	vst v47  }
0x63: {  	v52 =	vld [tilespmem:$0x1E0];
	v51 =	vshrl.u32 v42, $0x2;
	[tilespmem:$0x5B0] =	vst v49  }
0x64: {  	v54 =	vld [tilespmem:$0x3E0];
	v53 =	vshrl.u32 v44, $0x2;
	[tilespmem:$0x7B0] =	vst v51  }
0x65: {  	v56 =	vld [tilespmem:$0x1F0];
	v55 =	vshrl.u32 v46, $0x2;
	[tilespmem:$0x5C0] =	vst v53  }
0x66: {  	v58 =	vld [tilespmem:$0x3F0];
	v57 =	vshrl.u32 v48, $0x2;
	[tilespmem:$0x7C0] =	vst v55  }
0x67: {  	v59 =	vshrl.u32 v50, $0x2;
	[tilespmem:$0x5D0] =	vst v57  }
0x68: {  	v60 =	vshrl.u32 v52, $0x2;
	[tilespmem:$0x7D0] =	vst v59  }
0x69: {  	v61 =	vshrl.u32 v54, $0x2;
	[tilespmem:$0x5E0] =	vst v60  }
0x6a: {  	[tilespmem:$0x7E0] =	vst v61;
	v62 =	vshrl.u32 v56, $0x2  }
0x6b: {  	v63 =	vshrl.u32 v58, $0x2;
	[tilespmem:$0x5F0] =	vst v62  }
0x6c: {  	s15 =	rddreg [dreg:$0xe];
	[tilespmem:$0x7F0] =	vst v63  }
0x6d: {  	[tilespmem:s11], [sflag:$0x1] =	stream.indirect.gather [hbm4b:s5+s10], $0x1, s2, s10, $0xb8;
	[tilespmem:$0x10C00] =	vst v63  }
0x6e: {  	s1 =	rddreg [dreg:$0xf]  }
0x6f: {  	[tilespmem:s12], [sflag:$0x1] =	stream.indirect.gather [hbm4b:s6+s10], $0x1, s9, s10, $0xb8;
	[tilespmem:$0x10C00] =	vst v63  }
0x70: {  	s13 =	rddreg [dreg:$0x10]  }
0x71: {  	[tilespmem:s15], [sflag:$0x1] =	stream.indirect.gather [hbm4b:s5+s10], $0x1, s10, s10, $0xb8;
	[tilespmem:$0x10C00] =	vst v63  }
0x72: {  	s14 =	rddreg [dreg:$0x11]  }
0x73: {  	[tilespmem:s13], [sflag:$0x1] =	stream.indirect.gather [hbm4b:s6+s10], $0x1, s1, s10, $0xb8;
	[tilespmem:$0x10C00] =	vst v63  }
0x74: {  	s15 =	rddreg [dreg:$0x12]  }
0x75: {  	[tilespmem:s15], [sflag:$0x1] =	stream.indirect.gather [hbm4b:s5+s10], $0x1, s14, s10, $0xb8;
	[tilespmem:$0x10C00] =	vst v63  }
0x76: {  	s13 =	rddreg [dreg:$0x13];
	s15 =	simm.s32 $0x10B00  }
0x77: {  	[tilespmem:s15], [sflag:$0x1] =	stream.indirect.gather [hbm4b:s6+s10], $0x1, s13, s10, $0xb8;
	[tilespmem:$0x10C00] =	vst v63  }
0x78: {  	s14 =	simm.s32 $0x180;
	s15 =	simm.s32 $0x10980  }
0x79: {  	[tilespmem:s15], [sflag:$0x1] =	stream.indirect.gather [hbm4b:s5+s10], $0x1, s14, s10, $0xb8;
	[tilespmem:$0x10C00] =	vst v63  }
0x7a: {  	_ = 	snop  }
0x7b: {  	[tilespmem:s17], [sflag:$0x1] =	stream.indirect.gather [hbm4b:s6+s10], $0x1, s16, s10, $0xb8;
	[tilespmem:$0x10C00] =	vst v63  }
0x7c: {  	_ = 	snop  }
0x7d: {  	[tilespmem:s19], [sflag:$0x1] =	stream.indirect.gather [hbm4b:s3+s10], $0x80, s18, s10, $0xb8;
	[tilespmem:$0x10C00] =	vst v63  }
0x7e: {  	_ = 	snop  }
0x7f: {  	[tilespmem:s21], [sflag:$0x1] =	stream.indirect.gather [hbm4b:s4+s10], $0x80, s20, s10, $0xb8;
	[tilespmem:$0x10C00] =	vst v63  }
0x80: {  	_ = 	snop  }
0x81: {  	[tilespmem:s23], [sflag:$0x1] =	stream.indirect.gather [hbm4b:s3+s10], $0x80, s22, s10, $0xb8;
	[tilespmem:$0x10C00] =	vst v63  }
0x82: {  	_ = 	snop  }
0x83: {  	[tilespmem:s25], [sflag:$0x1] =	stream.indirect.gather [hbm4b:s4+s10], $0x80, s24, s10, $0xb8;
	[tilespmem:$0x10C00] =	vst v63  }
0x84: {  	_ =	swait.ge [sflag:s26], $0x4000  }
0x85: {  	[sflag:s26] =	ssyncset.done $0x0  }
0x86: {  	[sflag:s26] =	ssyncadd.s32 $0xFFFFC000  }
0x87: {  	_ =	swait.ge [sflag:s26], $0x4000  }
0x88: {  	[sflag:s26] =	ssyncset.done $0x0  }
0x89: {  	[sflag:s26] =	ssyncadd.s32 $0xFFFFC000  }
0x8a: {  	_ =	swait.ge [sflag:s26], $0x4000  }
0x8b: {  	[sflag:s26] =	ssyncset.done $0x0  }
0x8c: {  	[sflag:s26] =	ssyncadd.s32 $0xFFFFC000  }
0x8d: {  	_ =	swait.ge [sflag:s26], $0x4000  }
0x8e: {  	[sflag:s26] =	ssyncset.done $0x0  }
0x8f: {  	s13 =	rddreg [dreg:$0x8];
	[sflag:s26] =	ssyncadd.s32 $0xFFFFC000  }
0x90: {  	[hbm4b:s13+s2] =	stream.linear.scatter [tilespmem:s19], [sflag:$0x2], $0x8000, $0x38;
	[tilespmem:$0x10C00] =	vst v63  }
0x91: {  	_ =	swait.ge [sflag:s28], $0x8000  }
0x92: {  	[sflag:s28] =	ssyncset.done $0x0  }
0x93: {  	s14 =	rddreg [dreg:$0x9];
	[sflag:s28] =	ssyncadd.s32 $0xFFFF8000  }
0x94: {  	[hbm4b:s14+s2] =	stream.linear.scatter [tilespmem:s21], [sflag:$0x2], $0x8000, $0x38;
	[tilespmem:$0x10C00] =	vst v63  }
0x95: {  	_ =	swait.ge [sflag:s28], $0x8000  }
0x96: {  	[sflag:s28] =	ssyncset.done $0x0  }
0x97: {  	[sflag:s28] =	ssyncadd.s32 $0xFFFF8000  }
0x98: {  	[tilespmem:s19], [sflag:$0x1] =	stream.indirect.gather [hbm4b:s3+s10], $0x80, s29, s10, $0xb8;
	[tilespmem:$0x10C00] =	vst v63  }
0x99: {  	_ = 	snop  }
0x9a: {  	[tilespmem:s21], [sflag:$0x1] =	stream.indirect.gather [hbm4b:s4+s10], $0x80, s30, s10, $0xb8;
	[tilespmem:$0x10C00] =	vst v63  }
0x9b: {  	_ = 	snop  }
0x9c: {  	[tilespmem:s23], [sflag:$0x1] =	stream.indirect.gather [hbm4b:s3+s10], $0x80, s31, s10, $0xb8;
	[tilespmem:$0x10C00] =	vst v63  }
0x9d: {  	_ = 	snop  }
0x9e: {  	[tilespmem:s25], [sflag:$0x1] =	stream.indirect.gather [hbm4b:s4+s10], $0x80, s0, s10, $0xb8;
	[tilespmem:$0x10C00] =	vst v63  }
0x9f: {  	_ =	swait.ge [sflag:s26], $0x4000  }
0xa0: {  	[sflag:s26] =	ssyncset.done $0x0  }
0xa1: {  	[sflag:s26] =	ssyncadd.s32 $0xFFFFC000  }
0xa2: {  	_ =	swait.ge [sflag:s26], $0x4000  }
0xa3: {  	[sflag:s26] =	ssyncset.done $0x0  }
0xa4: {  	[sflag:s26] =	ssyncadd.s32 $0xFFFFC000  }
0xa5: {  	_ =	swait.ge [sflag:s26], $0x4000  }
0xa6: {  	[sflag:s26] =	ssyncset.done $0x0  }
0xa7: {  	[sflag:s26] =	ssyncadd.s32 $0xFFFFC000  }
0xa8: {  	_ =	swait.ge [sflag:s26], $0x4000  }
0xa9: {  	[sflag:s26] =	ssyncset.done $0x0  }
0xaa: {  	s15 =	rddreg [dreg:$0xa];
	[sflag:s26] =	ssyncadd.s32 $0xFFFFC000  }
0xab: {  	[hbm4b:s15+s2] =	stream.linear.scatter [tilespmem:s19], [sflag:$0x2], $0x8000, $0x38;
	[tilespmem:$0x10C00] =	vst v63  }
0xac: {  	_ =	swait.ge [sflag:s28], $0x8000  }
0xad: {  	[sflag:s28] =	ssyncset.done $0x0  }
0xae: {  	s13 =	rddreg [dreg:$0xb];
	[sflag:s28] =	ssyncadd.s32 $0xFFFF8000  }
0xaf: {  	[hbm4b:s13+s2] =	stream.linear.scatter [tilespmem:s21], [sflag:$0x2], $0x8000, $0x38;
	[tilespmem:$0x10C00] =	vst v63  }
0xb0: {  	_ =	swait.ge [sflag:s28], $0x8000  }
0xb1: {  	[sflag:s28] =	ssyncset.done $0x0  }
0xb2: {  	[sflag:s28] =	ssyncadd.s32 $0xFFFF8000  }
0xb3: {  	_ =	swait.ge [sflag:s26], $0x80  }
0xb4: {  	[sflag:s26] =	ssyncset.done $0x0  }
0xb5: {  	[sflag:s26] =	ssyncadd.s32 $0xFFFFFF80  }
0xb6: {  	_ =	swait.ge [sflag:s26], $0x80  }
0xb7: {  	[sflag:s26] =	ssyncset.done $0x0  }
0xb8: {  	[sflag:s26] =	ssyncadd.s32 $0xFFFFFF80  }
0xb9: {  	_ =	swait.ge [sflag:s26], $0x80  }
0xba: {  	[sflag:s26] =	ssyncset.done $0x0  }
0xbb: {  	[sflag:s26] =	ssyncadd.s32 $0xFFFFFF80  }
0xbc: {  	_ =	swait.ge [sflag:s26], $0x80  }
0xbd: {  	[sflag:s26] =	ssyncset.done $0x0  }
0xbe: {  	[sflag:s26] =	ssyncadd.s32 $0xFFFFFF80  }
0xbf: {  	_ =	swait.ge [sflag:s26], $0x80  }
0xc0: {  	[sflag:s26] =	ssyncset.done $0x0  }
0xc1: {  	[sflag:s26] =	ssyncadd.s32 $0xFFFFFF80  }
0xc2: {  	_ =	swait.ge [sflag:s26], $0x80  }
0xc3: {  	[sflag:s26] =	ssyncset.done $0x0  }
0xc4: {  	[sflag:s26] =	ssyncadd.s32 $0xFFFFFF80  }
0xc5: {  	_ =	swait.ge [sflag:s26], $0x80  }
0xc6: {  	[sflag:s26] =	ssyncset.done $0x0  }
0xc7: {  	[sflag:s26] =	ssyncadd.s32 $0xFFFFFF80  }
0xc8: {  	_ =	swait.ge [sflag:s26], $0x80  }
0xc9: {  	[sflag:s26] =	ssyncset.done $0x0  }
0xca: {  	s14 =	rddreg [dreg:$0xc];
	[sflag:s26] =	ssyncadd.s32 $0xFFFFFF80  }
0xcb: {  	[hbm4b:s14+s2] =	stream.linear.scatter [tilespmem:s11], [sflag:$0x2], $0x200, $0x38;
	[tilespmem:$0x10C00] =	vst v63  }
0xcc: {  	_ =	swait.ge [sflag:s28], $0x200  }
0xcd: {  	p0 =	sne.s32 s7, $0x1;
	[sflag:s28] =	ssyncset.done $0x0  }
.Ltmp0:
0xce: {  	s15 =	rddreg [dreg:$0xd];
	[sflag:s28] =	ssyncadd.s32 $0xFFFFFE00;
	(pc) =	sbr.rel @p0 .LBB2_1-.Ltmp0, $4  }
0xcf: {  	[hbm4b:s15+s2] =	stream.linear.scatter [tilespmem:s12], [sflag:$0x2], $0x200, $0x38;
	[tilespmem:$0x10C00] =	vst v63  }
0xd0: {  	_ =	swait.ge [sflag:s28], $0x200  }
0xd1: {  	[sflag:s28] =	ssyncset.done $0x0  }
0xd2: {  	s7 =	sadd.s32 $0xFFFFFFFF, s7;
	[sflag:s28] =	ssyncadd.s32 $0xFFFFFE00  }
0xd3: {  	_ =	sfence.sel $0x180000  }
0xd4: {  	[bflag:$0x0] =	sbarrier.arrive $0xFFFF  }
0xd5: {  	_ =	strace $0x90000047  }
0xd6: {  	s0 =	stileid.u32;
	[bflag:$0x2] =	sbarrier.arrive $0xFFFF  }
0xd7: {  	p0 =	sne.s32 s0, $0x0;
	s0 =	rddreg [dreg:$0x5]  }
0xd8: {  	s0 =	sadd.s32 @!p0 $0x100000, s0  }
0xd9: {  	[sflag:s0] =	ssyncadd.tile.s32 @!p0 $0x1;
	_ =	shalt  }
.Lfunc_end2:
_tile_overlayer_lowered:
.L_overlay_start_2:
0xda: {  	(tag) =	ssettag $0x2  }
0xdb: {  	s0 =	rddreg [dreg:$0x0];
	s2 =	stileid.u32  }
0xdc: {  	s1 =	rddreg [dreg:$0x1];
	p0 =	sne.s32 s2, $0x0  }
0xdd: {  	s3 =	rddreg [dreg:$0x2];
	[bflag:$0x3] =	sbarrier.arrive $0xFFFF;
	s2 =	simm.s32 @!p0 $0x1C03  }
0xde: {  	[timem:s3], [sflag:s2] =	dma.local @!p0 [hbm:s0], s1  }
0xdf: {  	s0 =	simm.s32 @!p0 $0x3  }
0xe0: {  	_ =	swait.ge @!p0 [sflag:s0], s1  }
0xe1: {  	s1 =	ssub.s32 @!p0 $0x0, s1;
	[sflag:s0] =	ssyncset.done @!p0 $0x0  }
0xe2: {  	[sflag:s0] =	ssyncadd.s32 @!p0 s1  }
0xe3: {  	[bflag:$0x3] =	sbarrier.arrive $0xFFFF  }
0xe4: {  	_ =	shalt  }

</sc_bundles>
